<compile_context>
chip_gen: v7x
topology: tpu7x:2x2x1
jax: 0.10.2.dev20260603
libtpu: 0.0.44.dev20260713+nightly
codegen_flags: <defaults>
</compile_context>

<pallas_src>
import functools

import jax
import jax.numpy as jnp
from jax import lax
from jax.experimental import pallas as pl
from jax.experimental.pallas import tpu as pltpu
from jax.experimental.pallas import tpu_sc as plsc

N = 10000
E = 320000
D = 128
DH = D // 2

NC = 2
NS = 16
EPS = E // NS
CHUNK = 144
NCHUNK = EPS // CHUNK
TAIL = EPS - NCHUNK * CHUNK

RPS = 632
RPS_LAST = N - 15 * RPS


def _segsum_sc(x, ei):
    mesh = plsc.VectorSubcoreMesh(core_axis_name="c", subcore_axis_name="s")

    @functools.partial(
        pl.kernel,
        mesh=mesh,
        compiler_params=pltpu.CompilerParams(use_tc_tiling_on_sc=False),
        out_type=jax.ShapeDtypeStruct((2 * N, DH), jnp.float32),
        scratch_types=[
            pltpu.VMEM((4, 2, CHUNK), jnp.int32),
            pltpu.VMEM((3, CHUNK, DH), jnp.float32),
            pltpu.VMEM_SHARED((N, DH), jnp.float32),
            pltpu.VMEM_SHARED((N + 8, DH), jnp.float32),
            pltpu.SemaphoreType.DMA,
            pltpu.SemaphoreType.DMA,
            pltpu.SemaphoreType.DMA,
            pltpu.SemaphoreType.DMA,
            pltpu.SemaphoreType.DMA,
            pltpu.SemaphoreType.DMA,
        ],
    )
    def k(x_hbm, ei_hbm, out_hbm, ibuf, rows, xspm, acc,
          sem_i0, sem_i1, sem_g0, sem_g1, sem_s0, sem_s1):
        cid = lax.axis_index("c")
        sid = lax.axis_index("s")
        ebase = sid * EPS

        zeros16 = jnp.zeros((16,), jnp.float32)

        def zero_body(t, _):
            rows[0, t // (DH // 16), pl.ds((t % (DH // 16)) * 16, 16)] = zeros16
            return _

        lax.fori_loop(0, CHUNK * (DH // 16), zero_body, None)
        row0 = pl.multiple_of(sid * RPS, 8)

        def zero_acc(base, total, issue):
            for off in range(0, total, CHUNK):
                size = min(CHUNK, total - off)
                cp = pltpu.make_async_copy(rows.at[0, pl.ds(0, size)],
                                           acc.at[pl.ds(base + off, size)],
                                           sem_s0)
                cp.start() if issue else cp.wait()

        def stage_x(base, total, issue):
            @pl.when(cid == 0)
            def _():
                cp = pltpu.make_async_copy(
                    x_hbm.at[pl.ds(base, total), pl.ds(0, DH)],
                    xspm.at[pl.ds(base, total)], sem_s0)
                cp.start() if issue else cp.wait()

            @pl.when(cid == 1)
            def _():
                cp = pltpu.make_async_copy(
                    x_hbm.at[pl.ds(base, total), pl.ds(DH, DH)],
                    xspm.at[pl.ds(base, total)], sem_s0)
                cp.start() if issue else cp.wait()

        def prologue(issue):
            @pl.when(sid < NS - 1)
            def _():
                zero_acc(row0, RPS, issue)
                stage_x(row0, RPS, issue)

            @pl.when(sid == NS - 1)
            def _():
                zero_acc((NS - 1) * RPS, RPS_LAST, issue)
                stage_x((NS - 1) * RPS, RPS_LAST, issue)

        def sem_ip(p):
            return sem_i0 if p == 0 else sem_i1

        def sem_gp(p):
            return sem_g0 if p == 0 else sem_g1

        def sem_sp(p):
            return sem_s0 if p == 0 else sem_s1

        def idx_start(j, slot, p):
            pltpu.async_copy(ei_hbm.at[0, pl.ds(ebase + j * CHUNK, CHUNK)],
                             ibuf.at[slot, 0], sem_ip(p))
            pltpu.async_copy(ei_hbm.at[1, pl.ds(ebase + j * CHUNK, CHUNK)],
                             ibuf.at[slot, 1], sem_ip(p))

        def idx_wait(p):
            pltpu.make_async_copy(ei_hbm.at[0, pl.ds(0, CHUNK)],
                                  ibuf.at[0, 0], sem_ip(p)).wait()
            pltpu.make_async_copy(ei_hbm.at[1, pl.ds(0, CHUNK)],
                                  ibuf.at[0, 1], sem_ip(p)).wait()

        def gather_start(slot4, slot3, p):
            pltpu.async_copy(xspm.at[ibuf.at[slot4, 0]], rows.at[slot3],
                             sem_gp(p))

        def gather_wait(p):
            pltpu.make_async_copy(xspm.at[ibuf.at[0, 0]], rows.at[0],
                                  sem_gp(p)).wait()

        def scat_start(slot4, slot3, p):
            pltpu.async_copy(rows.at[slot3], acc.at[ibuf.at[slot4, 1]],
                             sem_sp(p), add=True)

        def scat_wait(p):
            pltpu.make_async_copy(rows.at[0], acc.at[ibuf.at[0, 1]],
                                  sem_sp(p)).wait()

        def step(i, p, w=True, g_next=True, i_next2=True):
            if w:
                scat_wait(p)
            if g_next:
                idx_wait(1 - p)
                gather_start(lax.rem(i + 1, 4), lax.rem(i + 1, 3), 1 - p)
            if i_next2:
                idx_start(i + 2, lax.rem(i + 2, 4), p)
            gather_wait(p)
            scat_start(lax.rem(i, 4), lax.rem(i, 3), p)

        prologue(issue=True)
        idx_start(0, 0, 0)
        prologue(issue=False)
        plsc.subcore_barrier()
        idx_wait(0)
        gather_start(0, 0, 0)
        idx_start(1, 1, 1)

        step(0, 0, w=False)
        step(1, 1, w=False)

        def body(i2, _):
            i = 2 * i2
            step(i, 0)
            step(i + 1, 1)
            return _

        lax.fori_loop(1, NCHUNK // 2 - 1, body, None)
        step(NCHUNK - 2, 0, i_next2=False)
        step(NCHUNK - 1, 1, g_next=False, i_next2=False)
        scat_wait(0)
        scat_wait(1)

        tbase = ebase + NCHUNK * CHUNK
        pltpu.sync_copy(ei_hbm.at[0, pl.ds(tbase, TAIL)],
                        ibuf.at[0, 0, pl.ds(0, TAIL)])
        pltpu.sync_copy(ei_hbm.at[1, pl.ds(tbase, TAIL)],
                        ibuf.at[0, 1, pl.ds(0, TAIL)])
        for t in range((CHUNK - TAIL) // 16):
            ibuf[0, 0, pl.ds(TAIL + t * 16, 16)] = jnp.zeros((16,), jnp.int32)
            ibuf[0, 1, pl.ds(TAIL + t * 16, 16)] = jnp.full((16,), N,
                                                            jnp.int32)
        pltpu.async_copy(xspm.at[ibuf.at[0, 0]], rows.at[0], sem_g0).wait()
        pltpu.sync_copy(rows.at[0], acc.at[ibuf.at[0, 1]], add=True)

        plsc.subcore_barrier()

        out0 = pl.multiple_of(cid * N + sid * RPS, 8)

        @pl.when(sid < NS - 1)
        def _():
            pltpu.sync_copy(acc.at[pl.ds(row0, RPS)],
                            out_hbm.at[pl.ds(out0, RPS)])

        @pl.when(sid == NS - 1)
        def _():
            pltpu.sync_copy(
                acc.at[pl.ds((NS - 1) * RPS, RPS_LAST)],
                out_hbm.at[pl.ds(cid * N + (NS - 1) * RPS, RPS_LAST)],
            )

    return k(x, ei)


def _mm_kernel(pl_ref, pr_ref, wl_ref, wr_ref, b_ref, o_ref):
    y = jnp.dot(pl_ref[...], wl_ref[...], preferred_element_type=jnp.float32)
    y += jnp.dot(pr_ref[...], wr_ref[...], preferred_element_type=jnp.float32)
    o_ref[...] = jnp.maximum(y + b_ref[...], 0.0)


def _finish_tc(partials, W, b2):
    blk = 2000
    nblk = N // blk
    return pl.pallas_call(
        _mm_kernel,
        grid=(nblk,),
        in_specs=[
            pl.BlockSpec((blk, DH), lambda i: (i, 0)),
            pl.BlockSpec((blk, DH), lambda i: (i + nblk, 0)),
            pl.BlockSpec((DH, D), lambda i: (0, 0)),
            pl.BlockSpec((DH, D), lambda i: (1, 0)),
            pl.BlockSpec((1, D), lambda i: (0, 0)),
        ],
        out_specs=pl.BlockSpec((blk, D), lambda i: (i, 0)),
        out_shape=jax.ShapeDtypeStruct((N, D), jnp.float32),
    )(partials, partials, W, W, b2)


def kernel(x, edge_index, W, b):
    partials = _segsum_sc(x, edge_index.astype(jnp.int32))
    return _finish_tc(partials, W, b.reshape(1, D))

# --- scband reference (transcript-rebuilt; emitter-appended) ---
"""Pipeline reference for scband-gcnlayer-1065151889944 (READ-ONLY COPY).

The authoritative reference and input builder live on the scoring server;
editing this copy changes nothing except your own understanding.
"""

import jax, jax.numpy as jnp
import numpy as np

N = 10000
E = 320000
D_IN = 128
D_OUT = 128

def setup_inputs(seed: int = 0) -> dict:
    key = jax.random.key(seed)
    k1, k2, k3, k4 = jax.random.split(key, 4)
    x = jax.random.normal(k1, (N, D_IN), dtype=jnp.float32)
    edge_index = jax.random.randint(k2, (2, E), 0, N)
    # learned params sized per init_kwargs (in_feats=128, out_feats=128, bias=True)
    stdv = 1.0 / np.sqrt(D_OUT)
    W = jax.random.uniform(k3, (D_IN, D_OUT), dtype=jnp.float32, minval=-stdv, maxval=stdv)
    b = jax.random.uniform(k4, (D_OUT,), dtype=jnp.float32, minval=-stdv, maxval=stdv)
    return {"x": x, "edge_index": edge_index, "W": W, "b": b}

def reference(x, edge_index, W, b):
    # GCNLayer forward (eval mode, dropout=identity):
    #   h = dropout(x); h = h @ W; g.update_all(copy_src, sum); h = h + b; h = activation(h)
    h = x @ W
    src = edge_index[0]
    dst = edge_index[1]
    msg = jnp.take(h, src, axis=0)              # gather per-edge source features
    agg = jax.ops.segment_sum(msg, dst, num_segments=N)  # scatter-add to dst nodes
    out = agg + b
    out = jax.nn.relu(out)
    return out

if __name__ == "__main__":
    import jax
    _d = setup_inputs()
    print(jax.jit(kernel)(*tuple(_d.values())))

</pallas_src>

<mosaic_0001>
#map = affine_map<(d0, d1) -> (0, 0)>
module attributes {stable_mosaic.version = 14 : i64} {
  func.func @k(%arg0: i32, %arg1: i32, %arg2: memref<10000x128xf32, #tpu.memory_space<hbm>>, %arg3: memref<2x320000xi32, #tpu.memory_space<hbm>>, %arg4: memref<20000x64xf32, #tpu.memory_space<hbm>>, %arg5: memref<4x2x144xi32, #tpu.memory_space<vmem>>, %arg6: memref<3x144x64xf32, #tpu.memory_space<vmem>>, %arg7: memref<10000x64xf32, #tpu.memory_space<vmem_shared>>, %arg8: memref<10008x64xf32, #tpu.memory_space<vmem_shared>>, %arg9: memref<!tpu.dma_semaphore, #tpu.memory_space<semaphore_mem>>, %arg10: memref<!tpu.dma_semaphore, #tpu.memory_space<semaphore_mem>>, %arg11: memref<!tpu.dma_semaphore, #tpu.memory_space<semaphore_mem>>, %arg12: memref<!tpu.dma_semaphore, #tpu.memory_space<semaphore_mem>>, %arg13: memref<!tpu.dma_semaphore, #tpu.memory_space<semaphore_mem>>, %arg14: memref<!tpu.dma_semaphore, #tpu.memory_space<semaphore_mem>>) attributes {dimension_semantics = [#tpu.dimension_semantics<core_parallel>, #tpu.dimension_semantics<subcore_parallel>], iteration_bounds = array<i64: 2, 16>, scalar_prefetch = 0 : i64, scratch_operands = 10 : i64, tpu.core_type = #tpu.core_type<sc_vector_subcore>, window_params = [{transform_indices = #map}, {transform_indices = #map}, {transform_indices = #map}]} {
    %mul3A = arith.constant 20000 : i32
    %mul3A_0 = arith.muli %arg1, %mul3A : i32
    %broadcast_in_dim3A = arith.constant 0.000000e+00 : f32
    %broadcast_in_dim3A_1 = vector.broadcast %broadcast_in_dim3A : f32 to vector<16xf32>
    %scan3A = arith.constant 0 : i32
    %scan3A_2 = arith.constant 576 : i32
    %scan3A_3 = arith.addi %scan3A, %scan3A_2 : i32
    %scan3A_4 = arith.constant 1 : i32
    scf.for %scan3A_575 = %scan3A to %scan3A_3 step %scan3A_4  : i32 {
      %jit3A = arith.constant 4 : i32
      %div3A = arith.divsi %scan3A_575, %jit3A : i32
      %sign3A = arith.constant 0 : i32
      %sign3A_576 = arith.cmpi sgt, %scan3A_575, %sign3A : i32
      %sign3A_577 = arith.extui %sign3A_576 : i1 to i32
      %sign3A_578 = arith.constant 0 : i32
      %sign3A_579 = arith.cmpi slt, %scan3A_575, %sign3A_578 : i32
      %sign3A_580 = arith.extui %sign3A_579 : i1 to i32
      %sign3A_581 = arith.subi %sign3A_577, %sign3A_580 : i32
      %sign3A_582 = arith.constant 0 : i32
      %sign3A_583 = arith.cmpi sgt, %jit3A, %sign3A_582 : i32
      %sign3A_584 = arith.extui %sign3A_583 : i1 to i32
      %sign3A_585 = arith.constant 0 : i32
      %sign3A_586 = arith.cmpi slt, %jit3A, %sign3A_585 : i32
      %sign3A_587 = arith.extui %sign3A_586 : i1 to i32
      %sign3A_588 = arith.subi %sign3A_584, %sign3A_587 : i32
      %ne3A = arith.cmpi ne, %sign3A_581, %sign3A_588 : i32
      %rem3A_589 = arith.remsi %scan3A_575, %jit3A : i32
      %ne3A_590 = arith.constant 0 : i32
      %ne3A_591 = arith.cmpi ne, %rem3A_589, %ne3A_590 : i32
      %and3A = arith.andi %ne3A, %ne3A_591 : i1
      %sub3A = arith.constant 1 : i32
      %sub3A_592 = arith.subi %div3A, %sub3A : i32
      %select_n3A = arith.select %and3A, %sub3A_592, %div3A : i32
      %jit3A_593 = arith.constant 4 : i32
      %eq3A_594 = arith.constant 0 : i32
      %eq3A_595 = arith.cmpi eq, %jit3A_593, %eq3A_594 : i32
      %jit3A_596 = arith.constant 1 : i32
      %select_n3A_597 = arith.select %eq3A_595, %jit3A_596, %jit3A_593 : i32
      %rem3A_598 = arith.remsi %scan3A_575, %select_n3A_597 : i32
      %ne3A_599 = arith.constant 0 : i32
      %ne3A_600 = arith.cmpi ne, %rem3A_598, %ne3A_599 : i32
      %lt3A_601 = arith.constant 0 : i32
      %lt3A_602 = arith.cmpi slt, %rem3A_598, %lt3A_601 : i32
      %lt3A_603 = arith.constant 0 : i32
      %lt3A_604 = arith.cmpi slt, %select_n3A_597, %lt3A_603 : i32
      %ne3A_605 = arith.xori %lt3A_602, %lt3A_604 : i1
      %and3A_606 = arith.andi %ne3A_605, %ne3A_600 : i1
      %add3A_607 = arith.addi %rem3A_598, %select_n3A_597 : i32
      %select_n3A_608 = arith.select %and3A_606, %add3A_607, %rem3A_598 : i32
      %mul3A_609 = arith.constant 16 : i32
      %mul3A_610 = arith.muli %select_n3A_608, %mul3A_609 : i32
      %swap3A_611 = arith.constant 0 : i32
      %swap3A_612 = arith.index_cast %swap3A_611 : i32 to index
      %swap3A_613 = arith.index_cast %select_n3A : i32 to index
      %swap3A_614 = arith.index_cast %mul3A_610 : i32 to index
      %swap3A_615 = tpu.vector_load %arg6[%swap3A_612, %swap3A_613, %swap3A_614] {strides = array<i32>} : memref<3x144x64xf32, #tpu.memory_space<vmem>>, vector<1x1x16xf32>,
      %swap3A_616 = vector.shape_cast %swap3A_615 : vector<1x1x16xf32> to vector<16xf32>
      %swap3A_617 = vector.shape_cast %broadcast_in_dim3A_1 : vector<16xf32> to vector<1x1x16xf32>
      tpu.vector_store %arg6[%swap3A_612, %swap3A_613, %swap3A_614], %swap3A_617 {strides = array<i32>} : memref<3x144x64xf32, #tpu.memory_space<vmem>>, vector<1x1x16xf32>,
    }
    %scan3A_5 = arith.constant 576 : i32
    %mul3A_6 = arith.constant 632 : i32
    %mul3A_7 = arith.muli %arg1, %mul3A_6 : i32
    %multiple_of3A = tpu.assume_multiple %mul3A_7, 8 : i32
    %lt3A = arith.constant 15 : i32
    %lt3A_8 = arith.cmpi slt, %arg1, %lt3A : i32
    %convert_element_type3A = arith.extui %lt3A_8 : i1 to i32
    %cond3A = arith.constant 0 : i32
    %cond3A_9 = arith.cmpi ne, %convert_element_type3A, %cond3A : i32
    scf.if %cond3A_9 {
      %add3A_575 = arith.constant 0 : i32
      %add3A_576 = arith.addi %multiple_of3A, %add3A_575 : i32
      %dma_start3A_577 = arith.constant 0 : i32
      %dma_start3A_578 = arith.constant 0 : i32
      %dma_start3A_579 = arith.constant 0 : i32
      %dma_start3A_580 = tpu.memref_slice %arg6[%dma_start3A_577, %dma_start3A_578, %dma_start3A_579] : memref<3x144x64xf32, #tpu.memory_space<vmem>> -> memref<1x144x64xf32, #tpu.memory_space<vmem>>
      %dma_start3A_581 = tpu.memref_squeeze %dma_start3A_580 : memref<1x144x64xf32, #tpu.memory_space<vmem>> -> memref<144x64xf32, #tpu.memory_space<vmem>>
      %dma_start3A_582 = arith.constant 0 : i32
      %dma_start3A_583 = tpu.memref_slice %arg8[%add3A_576, %dma_start3A_582] : memref<10008x64xf32, #tpu.memory_space<vmem_shared>> -> memref<144x64xf32, #tpu.memory_space<vmem_shared>>
      %dma_start3A_584 = arith.constant 0 : i32
      %dma_start3A_585 = tpu.memref_slice %arg8[%add3A_576, %dma_start3A_584] : memref<10008x64xf32, #tpu.memory_space<vmem_shared>> -> memref<144x64xf32, #tpu.memory_space<vmem_shared>>
      %dma_start3A_586 = arith.constant 0 : i32
      %dma_start3A_587 = arith.constant 0 : i32
      %dma_start3A_588 = tpu.memref_slice %arg6[%dma_start3A_577, %dma_start3A_586, %dma_start3A_587] : memref<3x144x64xf32, #tpu.memory_space<vmem>> -> memref<1x144x64xf32, #tpu.memory_space<vmem>>
      %dma_start3A_589 = tpu.memref_squeeze %dma_start3A_588 : memref<1x144x64xf32, #tpu.memory_space<vmem>> -> memref<144x64xf32, #tpu.memory_space<vmem>>
      tpu.enqueue_dma source(%dma_start3A_589 : memref<144x64xf32, #tpu.memory_space<vmem>>) target(%dma_start3A_585 : memref<144x64xf32, #tpu.memory_space<vmem_shared>>) target_semaphore(%arg13 : memref<!tpu.dma_semaphore, #tpu.memory_space<semaphore_mem>>)
      %add3A_590 = arith.constant 144 : i32
      %add3A_591 = arith.addi %multiple_of3A, %add3A_590 : i32
      %dma_start3A_592 = arith.constant 0 : i32
      %dma_start3A_593 = arith.constant 0 : i32
      %dma_start3A_594 = arith.constant 0 : i32
      %dma_start3A_595 = tpu.memref_slice %arg6[%dma_start3A_592, %dma_start3A_593, %dma_start3A_594] : memref<3x144x64xf32, #tpu.memory_space<vmem>> -> memref<1x144x64xf32, #tpu.memory_space<vmem>>
      %dma_start3A_596 = tpu.memref_squeeze %dma_start3A_595 : memref<1x144x64xf32, #tpu.memory_space<vmem>> -> memref<144x64xf32, #tpu.memory_space<vmem>>
      %dma_start3A_597 = arith.constant 0 : i32
      %dma_start3A_598 = tpu.memref_slice %arg8[%add3A_591, %dma_start3A_597] : memref<10008x64xf32, #tpu.memory_space<vmem_shared>> -> memref<144x64xf32, #tpu.memory_space<vmem_shared>>
      %dma_start3A_599 = arith.constant 0 : i32
      %dma_start3A_600 = tpu.memref_slice %arg8[%add3A_591, %dma_start3A_599] : memref<10008x64xf32, #tpu.memory_space<vmem_shared>> -> memref<144x64xf32, #tpu.memory_space<vmem_shared>>
      %dma_start3A_601 = arith.constant 0 : i32
      %dma_start3A_602 = arith.constant 0 : i32
      %dma_start3A_603 = tpu.memref_slice %arg6[%dma_start3A_592, %dma_start3A_601, %dma_start3A_602] : memref<3x144x64xf32, #tpu.memory_space<vmem>> -> memref<1x144x64xf32, #tpu.memory_space<vmem>>
      %dma_start3A_604 = tpu.memref_squeeze %dma_start3A_603 : memref<1x144x64xf32, #tpu.memory_space<vmem>> -> memref<144x64xf32, #tpu.memory_space<vmem>>
      tpu.enqueue_dma source(%dma_start3A_604 : memref<144x64xf32, #tpu.memory_space<vmem>>) target(%dma_start3A_600 : memref<144x64xf32, #tpu.memory_space<vmem_shared>>) target_semaphore(%arg13 : memref<!tpu.dma_semaphore, #tpu.memory_space<semaphore_mem>>)
      %add3A_605 = arith.constant 288 : i32
      %add3A_606 = arith.addi %multiple_of3A, %add3A_605 : i32
      %dma_start3A_607 = arith.constant 0 : i32
      %dma_start3A_608 = arith.constant 0 : i32
      %dma_start3A_609 = arith.constant 0 : i32
      %dma_start3A_610 = tpu.memref_slice %arg6[%dma_start3A_607, %dma_start3A_608, %dma_start3A_609] : memref<3x144x64xf32, #tpu.memory_space<vmem>> -> memref<1x144x64xf32, #tpu.memory_space<vmem>>
      %dma_start3A_611 = tpu.memref_squeeze %dma_start3A_610 : memref<1x144x64xf32, #tpu.memory_space<vmem>> -> memref<144x64xf32, #tpu.memory_space<vmem>>
      %dma_start3A_612 = arith.constant 0 : i32
      %dma_start3A_613 = tpu.memref_slice %arg8[%add3A_606, %dma_start3A_612] : memref<10008x64xf32, #tpu.memory_space<vmem_shared>> -> memref<144x64xf32, #tpu.memory_space<vmem_shared>>
      %dma_start3A_614 = arith.constant 0 : i32
      %dma_start3A_615 = tpu.memref_slice %arg8[%add3A_606, %dma_start3A_614] : memref<10008x64xf32, #tpu.memory_space<vmem_shared>> -> memref<144x64xf32, #tpu.memory_space<vmem_shared>>
      %dma_start3A_616 = arith.constant 0 : i32
      %dma_start3A_617 = arith.constant 0 : i32
      %dma_start3A_618 = tpu.memref_slice %arg6[%dma_start3A_607, %dma_start3A_616, %dma_start3A_617] : memref<3x144x64xf32, #tpu.memory_space<vmem>> -> memref<1x144x64xf32, #tpu.memory_space<vmem>>
      %dma_start3A_619 = tpu.memref_squeeze %dma_start3A_618 : memref<1x144x64xf32, #tpu.memory_space<vmem>> -> memref<144x64xf32, #tpu.memory_space<vmem>>
      tpu.enqueue_dma source(%dma_start3A_619 : memref<144x64xf32, #tpu.memory_space<vmem>>) target(%dma_start3A_615 : memref<144x64xf32, #tpu.memory_space<vmem_shared>>) target_semaphore(%arg13 : memref<!tpu.dma_semaphore, #tpu.memory_space<semaphore_mem>>)
      %add3A_620 = arith.constant 432 : i32
      %add3A_621 = arith.addi %multiple_of3A, %add3A_620 : i32
      %dma_start3A_622 = arith.constant 0 : i32
      %dma_start3A_623 = arith.constant 0 : i32
      %dma_start3A_624 = arith.constant 0 : i32
      %dma_start3A_625 = tpu.memref_slice %arg6[%dma_start3A_622, %dma_start3A_623, %dma_start3A_624] : memref<3x144x64xf32, #tpu.memory_space<vmem>> -> memref<1x144x64xf32, #tpu.memory_space<vmem>>
      %dma_start3A_626 = tpu.memref_squeeze %dma_start3A_625 : memref<1x144x64xf32, #tpu.memory_space<vmem>> -> memref<144x64xf32, #tpu.memory_space<vmem>>
      %dma_start3A_627 = arith.constant 0 : i32
      %dma_start3A_628 = tpu.memref_slice %arg8[%add3A_621, %dma_start3A_627] : memref<10008x64xf32, #tpu.memory_space<vmem_shared>> -> memref<144x64xf32, #tpu.memory_space<vmem_shared>>
      %dma_start3A_629 = arith.constant 0 : i32
      %dma_start3A_630 = tpu.memref_slice %arg8[%add3A_621, %dma_start3A_629] : memref<10008x64xf32, #tpu.memory_space<vmem_shared>> -> memref<144x64xf32, #tpu.memory_space<vmem_shared>>
      %dma_start3A_631 = arith.constant 0 : i32
      %dma_start3A_632 = arith.constant 0 : i32
      %dma_start3A_633 = tpu.memref_slice %arg6[%dma_start3A_622, %dma_start3A_631, %dma_start3A_632] : memref<3x144x64xf32, #tpu.memory_space<vmem>> -> memref<1x144x64xf32, #tpu.memory_space<vmem>>
      %dma_start3A_634 = tpu.memref_squeeze %dma_start3A_633 : memref<1x144x64xf32, #tpu.memory_space<vmem>> -> memref<144x64xf32, #tpu.memory_space<vmem>>
      tpu.enqueue_dma source(%dma_start3A_634 : memref<144x64xf32, #tpu.memory_space<vmem>>) target(%dma_start3A_630 : memref<144x64xf32, #tpu.memory_space<vmem_shared>>) target_semaphore(%arg13 : memref<!tpu.dma_semaphore, #tpu.memory_space<semaphore_mem>>)
      %add3A_635 = arith.constant 576 : i32
      %add3A_636 = arith.addi %multiple_of3A, %add3A_635 : i32
      %dma_start3A_637 = arith.constant 0 : i32
      %dma_start3A_638 = arith.constant 0 : i32
      %dma_start3A_639 = arith.constant 0 : i32
      %dma_start3A_640 = tpu.memref_slice %arg6[%dma_start3A_637, %dma_start3A_638, %dma_start3A_639] : memref<3x144x64xf32, #tpu.memory_space<vmem>> -> memref<1x56x64xf32, #tpu.memory_space<vmem>>
      %dma_start3A_641 = tpu.memref_squeeze %dma_start3A_640 : memref<1x56x64xf32, #tpu.memory_space<vmem>> -> memref<56x64xf32, #tpu.memory_space<vmem>>
      %dma_start3A_642 = arith.constant 0 : i32
      %dma_start3A_643 = tpu.memref_slice %arg8[%add3A_636, %dma_start3A_642] : memref<10008x64xf32, #tpu.memory_space<vmem_shared>> -> memref<56x64xf32, #tpu.memory_space<vmem_shared>>
      %dma_start3A_644 = arith.constant 0 : i32
      %dma_start3A_645 = tpu.memref_slice %arg8[%add3A_636, %dma_start3A_644] : memref<10008x64xf32, #tpu.memory_space<vmem_shared>> -> memref<56x64xf32, #tpu.memory_space<vmem_shared>>
      %dma_start3A_646 = arith.constant 0 : i32
      %dma_start3A_647 = arith.constant 0 : i32
      %dma_start3A_648 = tpu.memref_slice %arg6[%dma_start3A_637, %dma_start3A_646, %dma_start3A_647] : memref<3x144x64xf32, #tpu.memory_space<vmem>> -> memref<1x56x64xf32, #tpu.memory_space<vmem>>
      %dma_start3A_649 = tpu.memref_squeeze %dma_start3A_648 : memref<1x56x64xf32, #tpu.memory_space<vmem>> -> memref<56x64xf32, #tpu.memory_space<vmem>>
      tpu.enqueue_dma source(%dma_start3A_649 : memref<56x64xf32, #tpu.memory_space<vmem>>) target(%dma_start3A_645 : memref<56x64xf32, #tpu.memory_space<vmem_shared>>) target_semaphore(%arg13 : memref<!tpu.dma_semaphore, #tpu.memory_space<semaphore_mem>>)
      %eq3A_650 = arith.constant 0 : i32
      %eq3A_651 = arith.cmpi eq, %arg0, %eq3A_650 : i32
      %convert_element_type3A_652 = arith.extui %eq3A_651 : i1 to i32
      %cond3A_653 = arith.constant 0 : i32
      %cond3A_654 = arith.cmpi ne, %convert_element_type3A_652, %cond3A_653 : i32
      scf.if %cond3A_654 {
        %dma_start3A_660 = arith.constant 0 : i32
        %dma_start3A_661 = tpu.memref_slice %arg7[%multiple_of3A, %dma_start3A_660] : memref<10000x64xf32, #tpu.memory_space<vmem_shared>> -> memref<632x64xf32, #tpu.memory_space<vmem_shared>>
        %dma_start3A_662 = arith.constant 0 : i32
        %dma_start3A_663 = tpu.memref_slice %arg2[%multiple_of3A, %dma_start3A_662] : memref<10000x128xf32, #tpu.memory_space<hbm>> -> memref<632x64xf32, #tpu.memory_space<hbm>>
        tpu.enqueue_dma source(%dma_start3A_663 : memref<632x64xf32, #tpu.memory_space<hbm>>) target(%dma_start3A_661 : memref<632x64xf32, #tpu.memory_space<vmem_shared>>) target_semaphore(%arg13 : memref<!tpu.dma_semaphore, #tpu.memory_space<semaphore_mem>>)
      } else {
      }
      %eq3A_655 = arith.constant 1 : i32
      %eq3A_656 = arith.cmpi eq, %arg0, %eq3A_655 : i32
      %convert_element_type3A_657 = arith.extui %eq3A_656 : i1 to i32
      %cond3A_658 = arith.constant 0 : i32
      %cond3A_659 = arith.cmpi ne, %convert_element_type3A_657, %cond3A_658 : i32
      scf.if %cond3A_659 {
        %dma_start3A_660 = arith.constant 0 : i32
        %dma_start3A_661 = tpu.memref_slice %arg7[%multiple_of3A, %dma_start3A_660] : memref<10000x64xf32, #tpu.memory_space<vmem_shared>> -> memref<632x64xf32, #tpu.memory_space<vmem_shared>>
        %dma_start3A_662 = arith.constant 64 : i32
        %dma_start3A_663 = tpu.memref_slice %arg2[%multiple_of3A, %dma_start3A_662] : memref<10000x128xf32, #tpu.memory_space<hbm>> -> memref<632x64xf32, #tpu.memory_space<hbm>>
        tpu.enqueue_dma source(%dma_start3A_663 : memref<632x64xf32, #tpu.memory_space<hbm>>) target(%dma_start3A_661 : memref<632x64xf32, #tpu.memory_space<vmem_shared>>) target_semaphore(%arg13 : memref<!tpu.dma_semaphore, #tpu.memory_space<semaphore_mem>>)
      } else {
      }
    } else {
    }
    %eq3A = arith.constant 15 : i32
    %eq3A_10 = arith.cmpi eq, %arg1, %eq3A : i32
    %convert_element_type3A_11 = arith.extui %eq3A_10 : i1 to i32
    %cond3A_12 = arith.constant 0 : i32
    %cond3A_13 = arith.cmpi ne, %convert_element_type3A_11, %cond3A_12 : i32
    scf.if %cond3A_13 {
      %dma_start3A_575 = arith.constant 0 : i32
      %dma_start3A_576 = arith.constant 0 : i32
      %dma_start3A_577 = arith.constant 0 : i32
      %dma_start3A_578 = tpu.memref_slice %arg6[%dma_start3A_575, %dma_start3A_576, %dma_start3A_577] : memref<3x144x64xf32, #tpu.memory_space<vmem>> -> memref<1x144x64xf32, #tpu.memory_space<vmem>>
      %dma_start3A_579 = tpu.memref_squeeze %dma_start3A_578 : memref<1x144x64xf32, #tpu.memory_space<vmem>> -> memref<144x64xf32, #tpu.memory_space<vmem>>
      %dma_start3A_580 = arith.constant 9480 : i32
      %dma_start3A_581 = arith.constant 0 : i32
      %dma_start3A_582 = tpu.memref_slice %arg8[%dma_start3A_580, %dma_start3A_581] : memref<10008x64xf32, #tpu.memory_space<vmem_shared>> -> memref<144x64xf32, #tpu.memory_space<vmem_shared>>
      %dma_start3A_583 = arith.constant 9480 : i32
      %dma_start3A_584 = arith.constant 0 : i32
      %dma_start3A_585 = tpu.memref_slice %arg8[%dma_start3A_583, %dma_start3A_584] : memref<10008x64xf32, #tpu.memory_space<vmem_shared>> -> memref<144x64xf32, #tpu.memory_space<vmem_shared>>
      %dma_start3A_586 = arith.constant 0 : i32
      %dma_start3A_587 = arith.constant 0 : i32
      %dma_start3A_588 = tpu.memref_slice %arg6[%dma_start3A_575, %dma_start3A_586, %dma_start3A_587] : memref<3x144x64xf32, #tpu.memory_space<vmem>> -> memref<1x144x64xf32, #tpu.memory_space<vmem>>
      %dma_start3A_589 = tpu.memref_squeeze %dma_start3A_588 : memref<1x144x64xf32, #tpu.memory_space<vmem>> -> memref<144x64xf32, #tpu.memory_space<vmem>>
      tpu.enqueue_dma source(%dma_start3A_589 : memref<144x64xf32, #tpu.memory_space<vmem>>) target(%dma_start3A_585 : memref<144x64xf32, #tpu.memory_space<vmem_shared>>) target_semaphore(%arg13 : memref<!tpu.dma_semaphore, #tpu.memory_space<semaphore_mem>>)
      %dma_start3A_590 = arith.constant 0 : i32
      %dma_start3A_591 = arith.constant 0 : i32
      %dma_start3A_592 = arith.constant 0 : i32
      %dma_start3A_593 = tpu.memref_slice %arg6[%dma_start3A_590, %dma_start3A_591, %dma_start3A_592] : memref<3x144x64xf32, #tpu.memory_space<vmem>> -> memref<1x144x64xf32, #tpu.memory_space<vmem>>
      %dma_start3A_594 = tpu.memref_squeeze %dma_start3A_593 : memref<1x144x64xf32, #tpu.memory_space<vmem>> -> memref<144x64xf32, #tpu.memory_space<vmem>>
      %dma_start3A_595 = arith.constant 9624 : i32
      %dma_start3A_596 = arith.constant 0 : i32
      %dma_start3A_597 = tpu.memref_slice %arg8[%dma_start3A_595, %dma_start3A_596] : memref<10008x64xf32, #tpu.memory_space<vmem_shared>> -> memref<144x64xf32, #tpu.memory_space<vmem_shared>>
      %dma_start3A_598 = arith.constant 9624 : i32
      %dma_start3A_599 = arith.constant 0 : i32
      %dma_start3A_600 = tpu.memref_slice %arg8[%dma_start3A_598, %dma_start3A_599] : memref<10008x64xf32, #tpu.memory_space<vmem_shared>> -> memref<144x64xf32, #tpu.memory_space<vmem_shared>>
      %dma_start3A_601 = arith.constant 0 : i32
      %dma_start3A_602 = arith.constant 0 : i32
      %dma_start3A_603 = tpu.memref_slice %arg6[%dma_start3A_590, %dma_start3A_601, %dma_start3A_602] : memref<3x144x64xf32, #tpu.memory_space<vmem>> -> memref<1x144x64xf32, #tpu.memory_space<vmem>>
      %dma_start3A_604 = tpu.memref_squeeze %dma_start3A_603 : memref<1x144x64xf32, #tpu.memory_space<vmem>> -> memref<144x64xf32, #tpu.memory_space<vmem>>
      tpu.enqueue_dma source(%dma_start3A_604 : memref<144x64xf32, #tpu.memory_space<vmem>>) target(%dma_start3A_600 : memref<144x64xf32, #tpu.memory_space<vmem_shared>>) target_semaphore(%arg13 : memref<!tpu.dma_semaphore, #tpu.memory_space<semaphore_mem>>)
      %dma_start3A_605 = arith.constant 0 : i32
      %dma_start3A_606 = arith.constant 0 : i32
      %dma_start3A_607 = arith.constant 0 : i32
      %dma_start3A_608 = tpu.memref_slice %arg6[%dma_start3A_605, %dma_start3A_606, %dma_start3A_607] : memref<3x144x64xf32, #tpu.memory_space<vmem>> -> memref<1x144x64xf32, #tpu.memory_space<vmem>>
      %dma_start3A_609 = tpu.memref_squeeze %dma_start3A_608 : memref<1x144x64xf32, #tpu.memory_space<vmem>> -> memref<144x64xf32, #tpu.memory_space<vmem>>
      %dma_start3A_610 = arith.constant 9768 : i32
      %dma_start3A_611 = arith.constant 0 : i32
      %dma_start3A_612 = tpu.memref_slice %arg8[%dma_start3A_610, %dma_start3A_611] : memref<10008x64xf32, #tpu.memory_space<vmem_shared>> -> memref<144x64xf32, #tpu.memory_space<vmem_shared>>
      %dma_start3A_613 = arith.constant 9768 : i32
      %dma_start3A_614 = arith.constant 0 : i32
      %dma_start3A_615 = tpu.memref_slice %arg8[%dma_start3A_613, %dma_start3A_614] : memref<10008x64xf32, #tpu.memory_space<vmem_shared>> -> memref<144x64xf32, #tpu.memory_space<vmem_shared>>
      %dma_start3A_616 = arith.constant 0 : i32
      %dma_start3A_617 = arith.constant 0 : i32
      %dma_start3A_618 = tpu.memref_slice %arg6[%dma_start3A_605, %dma_start3A_616, %dma_start3A_617] : memref<3x144x64xf32, #tpu.memory_space<vmem>> -> memref<1x144x64xf32, #tpu.memory_space<vmem>>
      %dma_start3A_619 = tpu.memref_squeeze %dma_start3A_618 : memref<1x144x64xf32, #tpu.memory_space<vmem>> -> memref<144x64xf32, #tpu.memory_space<vmem>>
      tpu.enqueue_dma source(%dma_start3A_619 : memref<144x64xf32, #tpu.memory_space<vmem>>) target(%dma_start3A_615 : memref<144x64xf32, #tpu.memory_space<vmem_shared>>) target_semaphore(%arg13 : memref<!tpu.dma_semaphore, #tpu.memory_space<semaphore_mem>>)
      %dma_start3A_620 = arith.constant 0 : i32
      %dma_start3A_621 = arith.constant 0 : i32
      %dma_start3A_622 = arith.constant 0 : i32
      %dma_start3A_623 = tpu.memref_slice %arg6[%dma_start3A_620, %dma_start3A_621, %dma_start3A_622] : memref<3x144x64xf32, #tpu.memory_space<vmem>> -> memref<1x88x64xf32, #tpu.memory_space<vmem>>
      %dma_start3A_624 = tpu.memref_squeeze %dma_start3A_623 : memref<1x88x64xf32, #tpu.memory_space<vmem>> -> memref<88x64xf32, #tpu.memory_space<vmem>>
      %dma_start3A_625 = arith.constant 9912 : i32
      %dma_start3A_626 = arith.constant 0 : i32
      %dma_start3A_627 = tpu.memref_slice %arg8[%dma_start3A_625, %dma_start3A_626] : memref<10008x64xf32, #tpu.memory_space<vmem_shared>> -> memref<88x64xf32, #tpu.memory_space<vmem_shared>>
      %dma_start3A_628 = arith.constant 9912 : i32
      %dma_start3A_629 = arith.constant 0 : i32
      %dma_start3A_630 = tpu.memref_slice %arg8[%dma_start3A_628, %dma_start3A_629] : memref<10008x64xf32, #tpu.memory_space<vmem_shared>> -> memref<88x64xf32, #tpu.memory_space<vmem_shared>>
      %dma_start3A_631 = arith.constant 0 : i32
      %dma_start3A_632 = arith.constant 0 : i32
      %dma_start3A_633 = tpu.memref_slice %arg6[%dma_start3A_620, %dma_start3A_631, %dma_start3A_632] : memref<3x144x64xf32, #tpu.memory_space<vmem>> -> memref<1x88x64xf32, #tpu.memory_space<vmem>>
      %dma_start3A_634 = tpu.memref_squeeze %dma_start3A_633 : memref<1x88x64xf32, #tpu.memory_space<vmem>> -> memref<88x64xf32, #tpu.memory_space<vmem>>
      tpu.enqueue_dma source(%dma_start3A_634 : memref<88x64xf32, #tpu.memory_space<vmem>>) target(%dma_start3A_630 : memref<88x64xf32, #tpu.memory_space<vmem_shared>>) target_semaphore(%arg13 : memref<!tpu.dma_semaphore, #tpu.memory_space<semaphore_mem>>)
      %eq3A_635 = arith.constant 0 : i32
      %eq3A_636 = arith.cmpi eq, %arg0, %eq3A_635 : i32
      %convert_element_type3A_637 = arith.extui %eq3A_636 : i1 to i32
      %cond3A_638 = arith.constant 0 : i32
      %cond3A_639 = arith.cmpi ne, %convert_element_type3A_637, %cond3A_638 : i32
      scf.if %cond3A_639 {
        %dma_start3A_645 = arith.constant 9480 : i32
        %dma_start3A_646 = arith.constant 0 : i32
        %dma_start3A_647 = tpu.memref_slice %arg7[%dma_start3A_645, %dma_start3A_646] : memref<10000x64xf32, #tpu.memory_space<vmem_shared>> -> memref<520x64xf32, #tpu.memory_space<vmem_shared>>
        %dma_start3A_648 = arith.constant 9480 : i32
        %dma_start3A_649 = arith.constant 0 : i32
        %dma_start3A_650 = tpu.memref_slice %arg2[%dma_start3A_648, %dma_start3A_649] : memref<10000x128xf32, #tpu.memory_space<hbm>> -> memref<520x64xf32, #tpu.memory_space<hbm>>
        tpu.enqueue_dma source(%dma_start3A_650 : memref<520x64xf32, #tpu.memory_space<hbm>>) target(%dma_start3A_647 : memref<520x64xf32, #tpu.memory_space<vmem_shared>>) target_semaphore(%arg13 : memref<!tpu.dma_semaphore, #tpu.memory_space<semaphore_mem>>)
      } else {
      }
      %eq3A_640 = arith.constant 1 : i32
      %eq3A_641 = arith.cmpi eq, %arg0, %eq3A_640 : i32
      %convert_element_type3A_642 = arith.extui %eq3A_641 : i1 to i32
      %cond3A_643 = arith.constant 0 : i32
      %cond3A_644 = arith.cmpi ne, %convert_element_type3A_642, %cond3A_643 : i32
      scf.if %cond3A_644 {
        %dma_start3A_645 = arith.constant 9480 : i32
        %dma_start3A_646 = arith.constant 0 : i32
        %dma_start3A_647 = tpu.memref_slice %arg7[%dma_start3A_645, %dma_start3A_646] : memref<10000x64xf32, #tpu.memory_space<vmem_shared>> -> memref<520x64xf32, #tpu.memory_space<vmem_shared>>
        %dma_start3A_648 = arith.constant 9480 : i32
        %dma_start3A_649 = arith.constant 64 : i32
        %dma_start3A_650 = tpu.memref_slice %arg2[%dma_start3A_648, %dma_start3A_649] : memref<10000x128xf32, #tpu.memory_space<hbm>> -> memref<520x64xf32, #tpu.memory_space<hbm>>
        tpu.enqueue_dma source(%dma_start3A_650 : memref<520x64xf32, #tpu.memory_space<hbm>>) target(%dma_start3A_647 : memref<520x64xf32, #tpu.memory_space<vmem_shared>>) target_semaphore(%arg13 : memref<!tpu.dma_semaphore, #tpu.memory_space<semaphore_mem>>)
      } else {
      }
    } else {
    }
    %add3A = arith.constant 0 : i32
    %add3A_14 = arith.addi %mul3A_0, %add3A : i32
    %dma_start3A = arith.constant 0 : i32
    %dma_start3A_15 = arith.constant 0 : i32
    %dma_start3A_16 = arith.constant 0 : i32
    %dma_start3A_17 = arith.constant 0 : i32
    %dma_start3A_18 = tpu.memref_slice %arg5[%dma_start3A_15, %dma_start3A_16, %dma_start3A_17] : memref<4x2x144xi32, #tpu.memory_space<vmem>> -> memref<1x1x144xi32, #tpu.memory_space<vmem>>
    %dma_start3A_19 = tpu.memref_squeeze %dma_start3A_18 : memref<1x1x144xi32, #tpu.memory_space<vmem>> -> memref<144xi32, #tpu.memory_space<vmem>>
    %dma_start3A_20 = tpu.memref_slice %arg3[%dma_start3A, %add3A_14] : memref<2x320000xi32, #tpu.memory_space<hbm>> -> memref<1x144xi32, #tpu.memory_space<hbm>>
    %dma_start3A_21 = tpu.memref_squeeze %dma_start3A_20 : memref<1x144xi32, #tpu.memory_space<hbm>> -> memref<144xi32, #tpu.memory_space<hbm>>
    %dma_start3A_22 = arith.constant 0 : i32
    %dma_start3A_23 = tpu.memref_slice %arg5[%dma_start3A_15, %dma_start3A_16, %dma_start3A_22] : memref<4x2x144xi32, #tpu.memory_space<vmem>> -> memref<1x1x144xi32, #tpu.memory_space<vmem>>
    %dma_start3A_24 = tpu.memref_squeeze %dma_start3A_23 : memref<1x1x144xi32, #tpu.memory_space<vmem>> -> memref<144xi32, #tpu.memory_space<vmem>>
    %dma_start3A_25 = tpu.memref_slice %arg3[%dma_start3A, %add3A_14] : memref<2x320000xi32, #tpu.memory_space<hbm>> -> memref<1x144xi32, #tpu.memory_space<hbm>>
    %dma_start3A_26 = tpu.memref_squeeze %dma_start3A_25 : memref<1x144xi32, #tpu.memory_space<hbm>> -> memref<144xi32, #tpu.memory_space<hbm>>
    tpu.enqueue_dma source(%dma_start3A_26 : memref<144xi32, #tpu.memory_space<hbm>>) target(%dma_start3A_24 : memref<144xi32, #tpu.memory_space<vmem>>) target_semaphore(%arg9 : memref<!tpu.dma_semaphore, #tpu.memory_space<semaphore_mem>>)
    %add3A_27 = arith.constant 0 : i32
    %add3A_28 = arith.addi %mul3A_0, %add3A_27 : i32
    %dma_start3A_29 = arith.constant 1 : i32
    %dma_start3A_30 = arith.constant 0 : i32
    %dma_start3A_31 = arith.constant 1 : i32
    %dma_start3A_32 = arith.constant 0 : i32
    %dma_start3A_33 = tpu.memref_slice %arg5[%dma_start3A_30, %dma_start3A_31, %dma_start3A_32] : memref<4x2x144xi32, #tpu.memory_space<vmem>> -> memref<1x1x144xi32, #tpu.memory_space<vmem>>
    %dma_start3A_34 = tpu.memref_squeeze %dma_start3A_33 : memref<1x1x144xi32, #tpu.memory_space<vmem>> -> memref<144xi32, #tpu.memory_space<vmem>>
    %dma_start3A_35 = tpu.memref_slice %arg3[%dma_start3A_29, %add3A_28] : memref<2x320000xi32, #tpu.memory_space<hbm>> -> memref<1x144xi32, #tpu.memory_space<hbm>>
    %dma_start3A_36 = tpu.memref_squeeze %dma_start3A_35 : memref<1x144xi32, #tpu.memory_space<hbm>> -> memref<144xi32, #tpu.memory_space<hbm>>
    %dma_start3A_37 = arith.constant 0 : i32
    %dma_start3A_38 = tpu.memref_slice %arg5[%dma_start3A_30, %dma_start3A_31, %dma_start3A_37] : memref<4x2x144xi32, #tpu.memory_space<vmem>> -> memref<1x1x144xi32, #tpu.memory_space<vmem>>
    %dma_start3A_39 = tpu.memref_squeeze %dma_start3A_38 : memref<1x1x144xi32, #tpu.memory_space<vmem>> -> memref<144xi32, #tpu.memory_space<vmem>>
    %dma_start3A_40 = tpu.memref_slice %arg3[%dma_start3A_29, %add3A_28] : memref<2x320000xi32, #tpu.memory_space<hbm>> -> memref<1x144xi32, #tpu.memory_space<hbm>>
    %dma_start3A_41 = tpu.memref_squeeze %dma_start3A_40 : memref<1x144xi32, #tpu.memory_space<hbm>> -> memref<144xi32, #tpu.memory_space<hbm>>
    tpu.enqueue_dma source(%dma_start3A_41 : memref<144xi32, #tpu.memory_space<hbm>>) target(%dma_start3A_39 : memref<144xi32, #tpu.memory_space<vmem>>) target_semaphore(%arg9 : memref<!tpu.dma_semaphore, #tpu.memory_space<semaphore_mem>>)
    %lt3A_42 = arith.constant 15 : i32
    %lt3A_43 = arith.cmpi slt, %arg1, %lt3A_42 : i32
    %convert_element_type3A_44 = arith.extui %lt3A_43 : i1 to i32
    %cond3A_45 = arith.constant 0 : i32
    %cond3A_46 = arith.cmpi ne, %convert_element_type3A_44, %cond3A_45 : i32
    scf.if %cond3A_46 {
      %add3A_575 = arith.constant 0 : i32
      %add3A_576 = arith.addi %multiple_of3A, %add3A_575 : i32
      %dma_wait3A_577 = arith.constant 0 : i32
      %dma_wait3A_578 = arith.constant 0 : i32
      %dma_wait3A_579 = arith.constant 0 : i32
      %dma_wait3A_580 = tpu.memref_slice %arg6[%dma_wait3A_577, %dma_wait3A_578, %dma_wait3A_579] : memref<3x144x64xf32, #tpu.memory_space<vmem>> -> memref<1x144x64xf32, #tpu.memory_space<vmem>>
      %dma_wait3A_581 = tpu.memref_squeeze %dma_wait3A_580 : memref<1x144x64xf32, #tpu.memory_space<vmem>> -> memref<144x64xf32, #tpu.memory_space<vmem>>
      %dma_wait3A_582 = arith.constant 0 : i32
      %dma_wait3A_583 = tpu.memref_slice %arg8[%add3A_576, %dma_wait3A_582] : memref<10008x64xf32, #tpu.memory_space<vmem_shared>> -> memref<144x64xf32, #tpu.memory_space<vmem_shared>>
      %dma_wait3A_584 = arith.constant 0 : i32
      %dma_wait3A_585 = tpu.memref_slice %arg8[%add3A_576, %dma_wait3A_584] : memref<10008x64xf32, #tpu.memory_space<vmem_shared>> -> memref<144x64xf32, #tpu.memory_space<vmem_shared>>
      %dma_wait3A_586 = arith.constant 0 : i32
      %dma_wait3A_587 = arith.constant 0 : i32
      %dma_wait3A_588 = tpu.memref_slice %arg6[%dma_wait3A_577, %dma_wait3A_586, %dma_wait3A_587] : memref<3x144x64xf32, #tpu.memory_space<vmem>> -> memref<1x144x64xf32, #tpu.memory_space<vmem>>
      %dma_wait3A_589 = tpu.memref_squeeze %dma_wait3A_588 : memref<1x144x64xf32, #tpu.memory_space<vmem>> -> memref<144x64xf32, #tpu.memory_space<vmem>>
      tpu.wait_dma2 semaphore(%arg13 : memref<!tpu.dma_semaphore, #tpu.memory_space<semaphore_mem>>) src(%dma_wait3A_589 : memref<144x64xf32, #tpu.memory_space<vmem>>) dst(%dma_wait3A_585 : memref<144x64xf32, #tpu.memory_space<vmem_shared>>)
      %add3A_590 = arith.constant 144 : i32
      %add3A_591 = arith.addi %multiple_of3A, %add3A_590 : i32
      %dma_wait3A_592 = arith.constant 0 : i32
      %dma_wait3A_593 = arith.constant 0 : i32
      %dma_wait3A_594 = arith.constant 0 : i32
      %dma_wait3A_595 = tpu.memref_slice %arg6[%dma_wait3A_592, %dma_wait3A_593, %dma_wait3A_594] : memref<3x144x64xf32, #tpu.memory_space<vmem>> -> memref<1x144x64xf32, #tpu.memory_space<vmem>>
      %dma_wait3A_596 = tpu.memref_squeeze %dma_wait3A_595 : memref<1x144x64xf32, #tpu.memory_space<vmem>> -> memref<144x64xf32, #tpu.memory_space<vmem>>
      %dma_wait3A_597 = arith.constant 0 : i32
      %dma_wait3A_598 = tpu.memref_slice %arg8[%add3A_591, %dma_wait3A_597] : memref<10008x64xf32, #tpu.memory_space<vmem_shared>> -> memref<144x64xf32, #tpu.memory_space<vmem_shared>>
      %dma_wait3A_599 = arith.constant 0 : i32
      %dma_wait3A_600 = tpu.memref_slice %arg8[%add3A_591, %dma_wait3A_599] : memref<10008x64xf32, #tpu.memory_space<vmem_shared>> -> memref<144x64xf32, #tpu.memory_space<vmem_shared>>
      %dma_wait3A_601 = arith.constant 0 : i32
      %dma_wait3A_602 = arith.constant 0 : i32
      %dma_wait3A_603 = tpu.memref_slice %arg6[%dma_wait3A_592, %dma_wait3A_601, %dma_wait3A_602] : memref<3x144x64xf32, #tpu.memory_space<vmem>> -> memref<1x144x64xf32, #tpu.memory_space<vmem>>
      %dma_wait3A_604 = tpu.memref_squeeze %dma_wait3A_603 : memref<1x144x64xf32, #tpu.memory_space<vmem>> -> memref<144x64xf32, #tpu.memory_space<vmem>>
      tpu.wait_dma2 semaphore(%arg13 : memref<!tpu.dma_semaphore, #tpu.memory_space<semaphore_mem>>) src(%dma_wait3A_604 : memref<144x64xf32, #tpu.memory_space<vmem>>) dst(%dma_wait3A_600 : memref<144x64xf32, #tpu.memory_space<vmem_shared>>)
      %add3A_605 = arith.constant 288 : i32
      %add3A_606 = arith.addi %multiple_of3A, %add3A_605 : i32
      %dma_wait3A_607 = arith.constant 0 : i32
      %dma_wait3A_608 = arith.constant 0 : i32
      %dma_wait3A_609 = arith.constant 0 : i32
      %dma_wait3A_610 = tpu.memref_slice %arg6[%dma_wait3A_607, %dma_wait3A_608, %dma_wait3A_609] : memref<3x144x64xf32, #tpu.memory_space<vmem>> -> memref<1x144x64xf32, #tpu.memory_space<vmem>>
      %dma_wait3A_611 = tpu.memref_squeeze %dma_wait3A_610 : memref<1x144x64xf32, #tpu.memory_space<vmem>> -> memref<144x64xf32, #tpu.memory_space<vmem>>
      %dma_wait3A_612 = arith.constant 0 : i32
      %dma_wait3A_613 = tpu.memref_slice %arg8[%add3A_606, %dma_wait3A_612] : memref<10008x64xf32, #tpu.memory_space<vmem_shared>> -> memref<144x64xf32, #tpu.memory_space<vmem_shared>>
      %dma_wait3A_614 = arith.constant 0 : i32
      %dma_wait3A_615 = tpu.memref_slice %arg8[%add3A_606, %dma_wait3A_614] : memref<10008x64xf32, #tpu.memory_space<vmem_shared>> -> memref<144x64xf32, #tpu.memory_space<vmem_shared>>
      %dma_wait3A_616 = arith.constant 0 : i32
      %dma_wait3A_617 = arith.constant 0 : i32
      %dma_wait3A_618 = tpu.memref_slice %arg6[%dma_wait3A_607, %dma_wait3A_616, %dma_wait3A_617] : memref<3x144x64xf32, #tpu.memory_space<vmem>> -> memref<1x144x64xf32, #tpu.memory_space<vmem>>
      %dma_wait3A_619 = tpu.memref_squeeze %dma_wait3A_618 : memref<1x144x64xf32, #tpu.memory_space<vmem>> -> memref<144x64xf32, #tpu.memory_space<vmem>>
      tpu.wait_dma2 semaphore(%arg13 : memref<!tpu.dma_semaphore, #tpu.memory_space<semaphore_mem>>) src(%dma_wait3A_619 : memref<144x64xf32, #tpu.memory_space<vmem>>) dst(%dma_wait3A_615 : memref<144x64xf32, #tpu.memory_space<vmem_shared>>)
      %add3A_620 = arith.constant 432 : i32
      %add3A_621 = arith.addi %multiple_of3A, %add3A_620 : i32
      %dma_wait3A_622 = arith.constant 0 : i32
      %dma_wait3A_623 = arith.constant 0 : i32
      %dma_wait3A_624 = arith.constant 0 : i32
      %dma_wait3A_625 = tpu.memref_slice %arg6[%dma_wait3A_622, %dma_wait3A_623, %dma_wait3A_624] : memref<3x144x64xf32, #tpu.memory_space<vmem>> -> memref<1x144x64xf32, #tpu.memory_space<vmem>>
      %dma_wait3A_626 = tpu.memref_squeeze %dma_wait3A_625 : memref<1x144x64xf32, #tpu.memory_space<vmem>> -> memref<144x64xf32, #tpu.memory_space<vmem>>
      %dma_wait3A_627 = arith.constant 0 : i32
      %dma_wait3A_628 = tpu.memref_slice %arg8[%add3A_621, %dma_wait3A_627] : memref<10008x64xf32, #tpu.memory_space<vmem_shared>> -> memref<144x64xf32, #tpu.memory_space<vmem_shared>>
      %dma_wait3A_629 = arith.constant 0 : i32
      %dma_wait3A_630 = tpu.memref_slice %arg8[%add3A_621, %dma_wait3A_629] : memref<10008x64xf32, #tpu.memory_space<vmem_shared>> -> memref<144x64xf32, #tpu.memory_space<vmem_shared>>
      %dma_wait3A_631 = arith.constant 0 : i32
      %dma_wait3A_632 = arith.constant 0 : i32
      %dma_wait3A_633 = tpu.memref_slice %arg6[%dma_wait3A_622, %dma_wait3A_631, %dma_wait3A_632] : memref<3x144x64xf32, #tpu.memory_space<vmem>> -> memref<1x144x64xf32, #tpu.memory_space<vmem>>
      %dma_wait3A_634 = tpu.memref_squeeze %dma_wait3A_633 : memref<1x144x64xf32, #tpu.memory_space<vmem>> -> memref<144x64xf32, #tpu.memory_space<vmem>>
      tpu.wait_dma2 semaphore(%arg13 : memref<!tpu.dma_semaphore, #tpu.memory_space<semaphore_mem>>) src(%dma_wait3A_634 : memref<144x64xf32, #tpu.memory_space<vmem>>) dst(%dma_wait3A_630 : memref<144x64xf32, #tpu.memory_space<vmem_shared>>)
      %add3A_635 = arith.constant 576 : i32
      %add3A_636 = arith.addi %multiple_of3A, %add3A_635 : i32
      %dma_wait3A_637 = arith.constant 0 : i32
      %dma_wait3A_638 = arith.constant 0 : i32
      %dma_wait3A_639 = arith.constant 0 : i32
      %dma_wait3A_640 = tpu.memref_slice %arg6[%dma_wait3A_637, %dma_wait3A_638, %dma_wait3A_639] : memref<3x144x64xf32, #tpu.memory_space<vmem>> -> memref<1x56x64xf32, #tpu.memory_space<vmem>>
      %dma_wait3A_641 = tpu.memref_squeeze %dma_wait3A_640 : memref<1x56x64xf32, #tpu.memory_space<vmem>> -> memref<56x64xf32, #tpu.memory_space<vmem>>
      %dma_wait3A_642 = arith.constant 0 : i32
      %dma_wait3A_643 = tpu.memref_slice %arg8[%add3A_636, %dma_wait3A_642] : memref<10008x64xf32, #tpu.memory_space<vmem_shared>> -> memref<56x64xf32, #tpu.memory_space<vmem_shared>>
      %dma_wait3A_644 = arith.constant 0 : i32
      %dma_wait3A_645 = tpu.memref_slice %arg8[%add3A_636, %dma_wait3A_644] : memref<10008x64xf32, #tpu.memory_space<vmem_shared>> -> memref<56x64xf32, #tpu.memory_space<vmem_shared>>
      %dma_wait3A_646 = arith.constant 0 : i32
      %dma_wait3A_647 = arith.constant 0 : i32
      %dma_wait3A_648 = tpu.memref_slice %arg6[%dma_wait3A_637, %dma_wait3A_646, %dma_wait3A_647] : memref<3x144x64xf32, #tpu.memory_space<vmem>> -> memref<1x56x64xf32, #tpu.memory_space<vmem>>
      %dma_wait3A_649 = tpu.memref_squeeze %dma_wait3A_648 : memref<1x56x64xf32, #tpu.memory_space<vmem>> -> memref<56x64xf32, #tpu.memory_space<vmem>>
      tpu.wait_dma2 semaphore(%arg13 : memref<!tpu.dma_semaphore, #tpu.memory_space<semaphore_mem>>) src(%dma_wait3A_649 : memref<56x64xf32, #tpu.memory_space<vmem>>) dst(%dma_wait3A_645 : memref<56x64xf32, #tpu.memory_space<vmem_shared>>)
      %eq3A_650 = arith.constant 0 : i32
      %eq3A_651 = arith.cmpi eq, %arg0, %eq3A_650 : i32
      %convert_element_type3A_652 = arith.extui %eq3A_651 : i1 to i32
      %cond3A_653 = arith.constant 0 : i32
      %cond3A_654 = arith.cmpi ne, %convert_element_type3A_652, %cond3A_653 : i32
      scf.if %cond3A_654 {
        %dma_wait3A_660 = arith.constant 0 : i32
        %dma_wait3A_661 = tpu.memref_slice %arg7[%multiple_of3A, %dma_wait3A_660] : memref<10000x64xf32, #tpu.memory_space<vmem_shared>> -> memref<632x64xf32, #tpu.memory_space<vmem_shared>>
        %dma_wait3A_662 = arith.constant 0 : i32
        %dma_wait3A_663 = tpu.memref_slice %arg2[%multiple_of3A, %dma_wait3A_662] : memref<10000x128xf32, #tpu.memory_space<hbm>> -> memref<632x64xf32, #tpu.memory_space<hbm>>
        tpu.wait_dma2 semaphore(%arg13 : memref<!tpu.dma_semaphore, #tpu.memory_space<semaphore_mem>>) src(%dma_wait3A_663 : memref<632x64xf32, #tpu.memory_space<hbm>>) dst(%dma_wait3A_661 : memref<632x64xf32, #tpu.memory_space<vmem_shared>>)
      } else {
      }
      %eq3A_655 = arith.constant 1 : i32
      %eq3A_656 = arith.cmpi eq, %arg0, %eq3A_655 : i32
      %convert_element_type3A_657 = arith.extui %eq3A_656 : i1 to i32
      %cond3A_658 = arith.constant 0 : i32
      %cond3A_659 = arith.cmpi ne, %convert_element_type3A_657, %cond3A_658 : i32
      scf.if %cond3A_659 {
        %dma_wait3A_660 = arith.constant 0 : i32
        %dma_wait3A_661 = tpu.memref_slice %arg7[%multiple_of3A, %dma_wait3A_660] : memref<10000x64xf32, #tpu.memory_space<vmem_shared>> -> memref<632x64xf32, #tpu.memory_space<vmem_shared>>
        %dma_wait3A_662 = arith.constant 64 : i32
        %dma_wait3A_663 = tpu.memref_slice %arg2[%multiple_of3A, %dma_wait3A_662] : memref<10000x128xf32, #tpu.memory_space<hbm>> -> memref<632x64xf32, #tpu.memory_space<hbm>>
        tpu.wait_dma2 semaphore(%arg13 : memref<!tpu.dma_semaphore, #tpu.memory_space<semaphore_mem>>) src(%dma_wait3A_663 : memref<632x64xf32, #tpu.memory_space<hbm>>) dst(%dma_wait3A_661 : memref<632x64xf32, #tpu.memory_space<vmem_shared>>)
      } else {
      }
    } else {
    }
    %eq3A_47 = arith.constant 15 : i32
    %eq3A_48 = arith.cmpi eq, %arg1, %eq3A_47 : i32
    %convert_element_type3A_49 = arith.extui %eq3A_48 : i1 to i32
    %cond3A_50 = arith.constant 0 : i32
    %cond3A_51 = arith.cmpi ne, %convert_element_type3A_49, %cond3A_50 : i32
    scf.if %cond3A_51 {
      %dma_wait3A_575 = arith.constant 0 : i32
      %dma_wait3A_576 = arith.constant 0 : i32
      %dma_wait3A_577 = arith.constant 0 : i32
      %dma_wait3A_578 = tpu.memref_slice %arg6[%dma_wait3A_575, %dma_wait3A_576, %dma_wait3A_577] : memref<3x144x64xf32, #tpu.memory_space<vmem>> -> memref<1x144x64xf32, #tpu.memory_space<vmem>>
      %dma_wait3A_579 = tpu.memref_squeeze %dma_wait3A_578 : memref<1x144x64xf32, #tpu.memory_space<vmem>> -> memref<144x64xf32, #tpu.memory_space<vmem>>
      %dma_wait3A_580 = arith.constant 9480 : i32
      %dma_wait3A_581 = arith.constant 0 : i32
      %dma_wait3A_582 = tpu.memref_slice %arg8[%dma_wait3A_580, %dma_wait3A_581] : memref<10008x64xf32, #tpu.memory_space<vmem_shared>> -> memref<144x64xf32, #tpu.memory_space<vmem_shared>>
      %dma_wait3A_583 = arith.constant 9480 : i32
      %dma_wait3A_584 = arith.constant 0 : i32
      %dma_wait3A_585 = tpu.memref_slice %arg8[%dma_wait3A_583, %dma_wait3A_584] : memref<10008x64xf32, #tpu.memory_space<vmem_shared>> -> memref<144x64xf32, #tpu.memory_space<vmem_shared>>
      %dma_wait3A_586 = arith.constant 0 : i32
      %dma_wait3A_587 = arith.constant 0 : i32
      %dma_wait3A_588 = tpu.memref_slice %arg6[%dma_wait3A_575, %dma_wait3A_586, %dma_wait3A_587] : memref<3x144x64xf32, #tpu.memory_space<vmem>> -> memref<1x144x64xf32, #tpu.memory_space<vmem>>
      %dma_wait3A_589 = tpu.memref_squeeze %dma_wait3A_588 : memref<1x144x64xf32, #tpu.memory_space<vmem>> -> memref<144x64xf32, #tpu.memory_space<vmem>>
      tpu.wait_dma2 semaphore(%arg13 : memref<!tpu.dma_semaphore, #tpu.memory_space<semaphore_mem>>) src(%dma_wait3A_589 : memref<144x64xf32, #tpu.memory_space<vmem>>) dst(%dma_wait3A_585 : memref<144x64xf32, #tpu.memory_space<vmem_shared>>)
      %dma_wait3A_590 = arith.constant 0 : i32
      %dma_wait3A_591 = arith.constant 0 : i32
      %dma_wait3A_592 = arith.constant 0 : i32
      %dma_wait3A_593 = tpu.memref_slice %arg6[%dma_wait3A_590, %dma_wait3A_591, %dma_wait3A_592] : memref<3x144x64xf32, #tpu.memory_space<vmem>> -> memref<1x144x64xf32, #tpu.memory_space<vmem>>
      %dma_wait3A_594 = tpu.memref_squeeze %dma_wait3A_593 : memref<1x144x64xf32, #tpu.memory_space<vmem>> -> memref<144x64xf32, #tpu.memory_space<vmem>>
      %dma_wait3A_595 = arith.constant 9624 : i32
      %dma_wait3A_596 = arith.constant 0 : i32
      %dma_wait3A_597 = tpu.memref_slice %arg8[%dma_wait3A_595, %dma_wait3A_596] : memref<10008x64xf32, #tpu.memory_space<vmem_shared>> -> memref<144x64xf32, #tpu.memory_space<vmem_shared>>
      %dma_wait3A_598 = arith.constant 9624 : i32
      %dma_wait3A_599 = arith.constant 0 : i32
      %dma_wait3A_600 = tpu.memref_slice %arg8[%dma_wait3A_598, %dma_wait3A_599] : memref<10008x64xf32, #tpu.memory_space<vmem_shared>> -> memref<144x64xf32, #tpu.memory_space<vmem_shared>>
      %dma_wait3A_601 = arith.constant 0 : i32
      %dma_wait3A_602 = arith.constant 0 : i32
      %dma_wait3A_603 = tpu.memref_slice %arg6[%dma_wait3A_590, %dma_wait3A_601, %dma_wait3A_602] : memref<3x144x64xf32, #tpu.memory_space<vmem>> -> memref<1x144x64xf32, #tpu.memory_space<vmem>>
      %dma_wait3A_604 = tpu.memref_squeeze %dma_wait3A_603 : memref<1x144x64xf32, #tpu.memory_space<vmem>> -> memref<144x64xf32, #tpu.memory_space<vmem>>
      tpu.wait_dma2 semaphore(%arg13 : memref<!tpu.dma_semaphore, #tpu.memory_space<semaphore_mem>>) src(%dma_wait3A_604 : memref<144x64xf32, #tpu.memory_space<vmem>>) dst(%dma_wait3A_600 : memref<144x64xf32, #tpu.memory_space<vmem_shared>>)
      %dma_wait3A_605 = arith.constant 0 : i32
      %dma_wait3A_606 = arith.constant 0 : i32
      %dma_wait3A_607 = arith.constant 0 : i32
      %dma_wait3A_608 = tpu.memref_slice %arg6[%dma_wait3A_605, %dma_wait3A_606, %dma_wait3A_607] : memref<3x144x64xf32, #tpu.memory_space<vmem>> -> memref<1x144x64xf32, #tpu.memory_space<vmem>>
      %dma_wait3A_609 = tpu.memref_squeeze %dma_wait3A_608 : memref<1x144x64xf32, #tpu.memory_space<vmem>> -> memref<144x64xf32, #tpu.memory_space<vmem>>
      %dma_wait3A_610 = arith.constant 9768 : i32
      %dma_wait3A_611 = arith.constant 0 : i32
      %dma_wait3A_612 = tpu.memref_slice %arg8[%dma_wait3A_610, %dma_wait3A_611] : memref<10008x64xf32, #tpu.memory_space<vmem_shared>> -> memref<144x64xf32, #tpu.memory_space<vmem_shared>>
      %dma_wait3A_613 = arith.constant 9768 : i32
      %dma_wait3A_614 = arith.constant 0 : i32
      %dma_wait3A_615 = tpu.memref_slice %arg8[%dma_wait3A_613, %dma_wait3A_614] : memref<10008x64xf32, #tpu.memory_space<vmem_shared>> -> memref<144x64xf32, #tpu.memory_space<vmem_shared>>
      %dma_wait3A_616 = arith.constant 0 : i32
      %dma_wait3A_617 = arith.constant 0 : i32
      %dma_wait3A_618 = tpu.memref_slice %arg6[%dma_wait3A_605, %dma_wait3A_616, %dma_wait3A_617] : memref<3x144x64xf32, #tpu.memory_space<vmem>> -> memref<1x144x64xf32, #tpu.memory_space<vmem>>
      %dma_wait3A_619 = tpu.memref_squeeze %dma_wait3A_618 : memref<1x144x64xf32, #tpu.memory_space<vmem>> -> memref<144x64xf32, #tpu.memory_space<vmem>>
      tpu.wait_dma2 semaphore(%arg13 : memref<!tpu.dma_semaphore, #tpu.memory_space<semaphore_mem>>) src(%dma_wait3A_619 : memref<144x64xf32, #tpu.memory_space<vmem>>) dst(%dma_wait3A_615 : memref<144x64xf32, #tpu.memory_space<vmem_shared>>)
      %dma_wait3A_620 = arith.constant 0 : i32
      %dma_wait3A_621 = arith.constant 0 : i32
      %dma_wait3A_622 = arith.constant 0 : i32
      %dma_wait3A_623 = tpu.memref_slice %arg6[%dma_wait3A_620, %dma_wait3A_621, %dma_wait3A_622] : memref<3x144x64xf32, #tpu.memory_space<vmem>> -> memref<1x88x64xf32, #tpu.memory_space<vmem>>
      %dma_wait3A_624 = tpu.memref_squeeze %dma_wait3A_623 : memref<1x88x64xf32, #tpu.memory_space<vmem>> -> memref<88x64xf32, #tpu.memory_space<vmem>>
      %dma_wait3A_625 = arith.constant 9912 : i32
      %dma_wait3A_626 = arith.constant 0 : i32
      %dma_wait3A_627 = tpu.memref_slice %arg8[%dma_wait3A_625, %dma_wait3A_626] : memref<10008x64xf32, #tpu.memory_space<vmem_shared>> -> memref<88x64xf32, #tpu.memory_space<vmem_shared>>
      %dma_wait3A_628 = arith.constant 9912 : i32
      %dma_wait3A_629 = arith.constant 0 : i32
      %dma_wait3A_630 = tpu.memref_slice %arg8[%dma_wait3A_628, %dma_wait3A_629] : memref<10008x64xf32, #tpu.memory_space<vmem_shared>> -> memref<88x64xf32, #tpu.memory_space<vmem_shared>>
      %dma_wait3A_631 = arith.constant 0 : i32
      %dma_wait3A_632 = arith.constant 0 : i32
      %dma_wait3A_633 = tpu.memref_slice %arg6[%dma_wait3A_620, %dma_wait3A_631, %dma_wait3A_632] : memref<3x144x64xf32, #tpu.memory_space<vmem>> -> memref<1x88x64xf32, #tpu.memory_space<vmem>>
      %dma_wait3A_634 = tpu.memref_squeeze %dma_wait3A_633 : memref<1x88x64xf32, #tpu.memory_space<vmem>> -> memref<88x64xf32, #tpu.memory_space<vmem>>
      tpu.wait_dma2 semaphore(%arg13 : memref<!tpu.dma_semaphore, #tpu.memory_space<semaphore_mem>>) src(%dma_wait3A_634 : memref<88x64xf32, #tpu.memory_space<vmem>>) dst(%dma_wait3A_630 : memref<88x64xf32, #tpu.memory_space<vmem_shared>>)
      %eq3A_635 = arith.constant 0 : i32
      %eq3A_636 = arith.cmpi eq, %arg0, %eq3A_635 : i32
      %convert_element_type3A_637 = arith.extui %eq3A_636 : i1 to i32
      %cond3A_638 = arith.constant 0 : i32
      %cond3A_639 = arith.cmpi ne, %convert_element_type3A_637, %cond3A_638 : i32
      scf.if %cond3A_639 {
        %dma_wait3A_645 = arith.constant 9480 : i32
        %dma_wait3A_646 = arith.constant 0 : i32
        %dma_wait3A_647 = tpu.memref_slice %arg7[%dma_wait3A_645, %dma_wait3A_646] : memref<10000x64xf32, #tpu.memory_space<vmem_shared>> -> memref<520x64xf32, #tpu.memory_space<vmem_shared>>
        %dma_wait3A_648 = arith.constant 9480 : i32
        %dma_wait3A_649 = arith.constant 0 : i32
        %dma_wait3A_650 = tpu.memref_slice %arg2[%dma_wait3A_648, %dma_wait3A_649] : memref<10000x128xf32, #tpu.memory_space<hbm>> -> memref<520x64xf32, #tpu.memory_space<hbm>>
        tpu.wait_dma2 semaphore(%arg13 : memref<!tpu.dma_semaphore, #tpu.memory_space<semaphore_mem>>) src(%dma_wait3A_650 : memref<520x64xf32, #tpu.memory_space<hbm>>) dst(%dma_wait3A_647 : memref<520x64xf32, #tpu.memory_space<vmem_shared>>)
      } else {
      }
      %eq3A_640 = arith.constant 1 : i32
      %eq3A_641 = arith.cmpi eq, %arg0, %eq3A_640 : i32
      %convert_element_type3A_642 = arith.extui %eq3A_641 : i1 to i32
      %cond3A_643 = arith.constant 0 : i32
      %cond3A_644 = arith.cmpi ne, %convert_element_type3A_642, %cond3A_643 : i32
      scf.if %cond3A_644 {
        %dma_wait3A_645 = arith.constant 9480 : i32
        %dma_wait3A_646 = arith.constant 0 : i32
        %dma_wait3A_647 = tpu.memref_slice %arg7[%dma_wait3A_645, %dma_wait3A_646] : memref<10000x64xf32, #tpu.memory_space<vmem_shared>> -> memref<520x64xf32, #tpu.memory_space<vmem_shared>>
        %dma_wait3A_648 = arith.constant 9480 : i32
        %dma_wait3A_649 = arith.constant 64 : i32
        %dma_wait3A_650 = tpu.memref_slice %arg2[%dma_wait3A_648, %dma_wait3A_649] : memref<10000x128xf32, #tpu.memory_space<hbm>> -> memref<520x64xf32, #tpu.memory_space<hbm>>
        tpu.wait_dma2 semaphore(%arg13 : memref<!tpu.dma_semaphore, #tpu.memory_space<semaphore_mem>>) src(%dma_wait3A_650 : memref<520x64xf32, #tpu.memory_space<hbm>>) dst(%dma_wait3A_647 : memref<520x64xf32, #tpu.memory_space<vmem_shared>>)
      } else {
      }
    } else {
    }
    %barrier3A = arith.constant 0 : index
    tpu.barrier barrier_id(%barrier3A)
    %dma_wait3A = arith.constant 0 : i32
    %dma_wait3A_52 = arith.constant 0 : i32
    %dma_wait3A_53 = arith.constant 0 : i32
    %dma_wait3A_54 = arith.constant 0 : i32
    %dma_wait3A_55 = tpu.memref_slice %arg5[%dma_wait3A_52, %dma_wait3A_53, %dma_wait3A_54] : memref<4x2x144xi32, #tpu.memory_space<vmem>> -> memref<1x1x144xi32, #tpu.memory_space<vmem>>
    %dma_wait3A_56 = tpu.memref_squeeze %dma_wait3A_55 : memref<1x1x144xi32, #tpu.memory_space<vmem>> -> memref<144xi32, #tpu.memory_space<vmem>>
    %dma_wait3A_57 = arith.constant 0 : i32
    %dma_wait3A_58 = tpu.memref_slice %arg3[%dma_wait3A, %dma_wait3A_57] : memref<2x320000xi32, #tpu.memory_space<hbm>> -> memref<1x144xi32, #tpu.memory_space<hbm>>
    %dma_wait3A_59 = tpu.memref_squeeze %dma_wait3A_58 : memref<1x144xi32, #tpu.memory_space<hbm>> -> memref<144xi32, #tpu.memory_space<hbm>>
    %dma_wait3A_60 = arith.constant 0 : i32
    %dma_wait3A_61 = tpu.memref_slice %arg5[%dma_wait3A_52, %dma_wait3A_53, %dma_wait3A_60] : memref<4x2x144xi32, #tpu.memory_space<vmem>> -> memref<1x1x144xi32, #tpu.memory_space<vmem>>
    %dma_wait3A_62 = tpu.memref_squeeze %dma_wait3A_61 : memref<1x1x144xi32, #tpu.memory_space<vmem>> -> memref<144xi32, #tpu.memory_space<vmem>>
    %dma_wait3A_63 = arith.constant 0 : i32
    %dma_wait3A_64 = tpu.memref_slice %arg3[%dma_wait3A, %dma_wait3A_63] : memref<2x320000xi32, #tpu.memory_space<hbm>> -> memref<1x144xi32, #tpu.memory_space<hbm>>
    %dma_wait3A_65 = tpu.memref_squeeze %dma_wait3A_64 : memref<1x144xi32, #tpu.memory_space<hbm>> -> memref<144xi32, #tpu.memory_space<hbm>>
    tpu.wait_dma2 semaphore(%arg9 : memref<!tpu.dma_semaphore, #tpu.memory_space<semaphore_mem>>) src(%dma_wait3A_65 : memref<144xi32, #tpu.memory_space<hbm>>) dst(%dma_wait3A_62 : memref<144xi32, #tpu.memory_space<vmem>>)
    %dma_wait3A_66 = arith.constant 1 : i32
    %dma_wait3A_67 = arith.constant 0 : i32
    %dma_wait3A_68 = arith.constant 1 : i32
    %dma_wait3A_69 = arith.constant 0 : i32
    %dma_wait3A_70 = tpu.memref_slice %arg5[%dma_wait3A_67, %dma_wait3A_68, %dma_wait3A_69] : memref<4x2x144xi32, #tpu.memory_space<vmem>> -> memref<1x1x144xi32, #tpu.memory_space<vmem>>
    %dma_wait3A_71 = tpu.memref_squeeze %dma_wait3A_70 : memref<1x1x144xi32, #tpu.memory_space<vmem>> -> memref<144xi32, #tpu.memory_space<vmem>>
    %dma_wait3A_72 = arith.constant 0 : i32
    %dma_wait3A_73 = tpu.memref_slice %arg3[%dma_wait3A_66, %dma_wait3A_72] : memref<2x320000xi32, #tpu.memory_space<hbm>> -> memref<1x144xi32, #tpu.memory_space<hbm>>
    %dma_wait3A_74 = tpu.memref_squeeze %dma_wait3A_73 : memref<1x144xi32, #tpu.memory_space<hbm>> -> memref<144xi32, #tpu.memory_space<hbm>>
    %dma_wait3A_75 = arith.constant 0 : i32
    %dma_wait3A_76 = tpu.memref_slice %arg5[%dma_wait3A_67, %dma_wait3A_68, %dma_wait3A_75] : memref<4x2x144xi32, #tpu.memory_space<vmem>> -> memref<1x1x144xi32, #tpu.memory_space<vmem>>
    %dma_wait3A_77 = tpu.memref_squeeze %dma_wait3A_76 : memref<1x1x144xi32, #tpu.memory_space<vmem>> -> memref<144xi32, #tpu.memory_space<vmem>>
    %dma_wait3A_78 = arith.constant 0 : i32
    %dma_wait3A_79 = tpu.memref_slice %arg3[%dma_wait3A_66, %dma_wait3A_78] : memref<2x320000xi32, #tpu.memory_space<hbm>> -> memref<1x144xi32, #tpu.memory_space<hbm>>
    %dma_wait3A_80 = tpu.memref_squeeze %dma_wait3A_79 : memref<1x144xi32, #tpu.memory_space<hbm>> -> memref<144xi32, #tpu.memory_space<hbm>>
    tpu.wait_dma2 semaphore(%arg9 : memref<!tpu.dma_semaphore, #tpu.memory_space<semaphore_mem>>) src(%dma_wait3A_80 : memref<144xi32, #tpu.memory_space<hbm>>) dst(%dma_wait3A_77 : memref<144xi32, #tpu.memory_space<vmem>>)
    %dma_start3A_81 = arith.constant 0 : i32
    %dma_start3A_82 = arith.constant 0 : i32
    %dma_start3A_83 = arith.constant 0 : i32
    %dma_start3A_84 = arith.constant 0 : i32
    %dma_start3A_85 = arith.constant 0 : i32
    %dma_start3A_86 = tpu.memref_slice %arg6[%dma_start3A_83, %dma_start3A_84, %dma_start3A_85] : memref<3x144x64xf32, #tpu.memory_space<vmem>> -> memref<1x144x64xf32, #tpu.memory_space<vmem>>
    %dma_start3A_87 = tpu.memref_squeeze %dma_start3A_86 : memref<1x144x64xf32, #tpu.memory_space<vmem>> -> memref<144x64xf32, #tpu.memory_space<vmem>>
    %dma_start3A_88 = arith.constant 0 : i32
    %dma_start3A_89 = tpu.memref_slice %arg5[%dma_start3A_81, %dma_start3A_82, %dma_start3A_88] : memref<4x2x144xi32, #tpu.memory_space<vmem>> -> memref<1x1x144xi32, #tpu.memory_space<vmem>>
    %dma_start3A_90 = tpu.memref_squeeze %dma_start3A_89 : memref<1x1x144xi32, #tpu.memory_space<vmem>> -> memref<144xi32, #tpu.memory_space<vmem>>
    %dma_start3A_91 = arith.constant 0 : i32
    %dma_start3A_92 = arith.constant 0 : i32
    %dma_start3A_93 = tpu.memref_slice %arg7[%dma_start3A_91, %dma_start3A_92] : memref<10000x64xf32, #tpu.memory_space<vmem_shared>> -> memref<10000x64xf32, #tpu.memory_space<vmem_shared>>
    tpu.enqueue_indirect_dma source(%dma_start3A_93 : memref<10000x64xf32, #tpu.memory_space<vmem_shared>>) target(%dma_start3A_87 : memref<144x64xf32, #tpu.memory_space<vmem>>) offsets(%dma_start3A_90 : memref<144xi32, #tpu.memory_space<vmem>>) semaphore(%arg11 : memref<!tpu.dma_semaphore, #tpu.memory_space<semaphore_mem>>)
    %add3A_94 = arith.constant 144 : i32
    %add3A_95 = arith.addi %mul3A_0, %add3A_94 : i32
    %dma_start3A_96 = arith.constant 0 : i32
    %dma_start3A_97 = arith.constant 1 : i32
    %dma_start3A_98 = arith.constant 0 : i32
    %dma_start3A_99 = arith.constant 0 : i32
    %dma_start3A_100 = tpu.memref_slice %arg5[%dma_start3A_97, %dma_start3A_98, %dma_start3A_99] : memref<4x2x144xi32, #tpu.memory_space<vmem>> -> memref<1x1x144xi32, #tpu.memory_space<vmem>>
    %dma_start3A_101 = tpu.memref_squeeze %dma_start3A_100 : memref<1x1x144xi32, #tpu.memory_space<vmem>> -> memref<144xi32, #tpu.memory_space<vmem>>
    %dma_start3A_102 = tpu.memref_slice %arg3[%dma_start3A_96, %add3A_95] : memref<2x320000xi32, #tpu.memory_space<hbm>> -> memref<1x144xi32, #tpu.memory_space<hbm>>
    %dma_start3A_103 = tpu.memref_squeeze %dma_start3A_102 : memref<1x144xi32, #tpu.memory_space<hbm>> -> memref<144xi32, #tpu.memory_space<hbm>>
    %dma_start3A_104 = arith.constant 0 : i32
    %dma_start3A_105 = tpu.memref_slice %arg5[%dma_start3A_97, %dma_start3A_98, %dma_start3A_104] : memref<4x2x144xi32, #tpu.memory_space<vmem>> -> memref<1x1x144xi32, #tpu.memory_space<vmem>>
    %dma_start3A_106 = tpu.memref_squeeze %dma_start3A_105 : memref<1x1x144xi32, #tpu.memory_space<vmem>> -> memref<144xi32, #tpu.memory_space<vmem>>
    %dma_start3A_107 = tpu.memref_slice %arg3[%dma_start3A_96, %add3A_95] : memref<2x320000xi32, #tpu.memory_space<hbm>> -> memref<1x144xi32, #tpu.memory_space<hbm>>
    %dma_start3A_108 = tpu.memref_squeeze %dma_start3A_107 : memref<1x144xi32, #tpu.memory_space<hbm>> -> memref<144xi32, #tpu.memory_space<hbm>>
    tpu.enqueue_dma source(%dma_start3A_108 : memref<144xi32, #tpu.memory_space<hbm>>) target(%dma_start3A_106 : memref<144xi32, #tpu.memory_space<vmem>>) target_semaphore(%arg10 : memref<!tpu.dma_semaphore, #tpu.memory_space<semaphore_mem>>)
    %add3A_109 = arith.constant 144 : i32
    %add3A_110 = arith.addi %mul3A_0, %add3A_109 : i32
    %dma_start3A_111 = arith.constant 1 : i32
    %dma_start3A_112 = arith.constant 1 : i32
    %dma_start3A_113 = arith.constant 1 : i32
    %dma_start3A_114 = arith.constant 0 : i32
    %dma_start3A_115 = tpu.memref_slice %arg5[%dma_start3A_112, %dma_start3A_113, %dma_start3A_114] : memref<4x2x144xi32, #tpu.memory_space<vmem>> -> memref<1x1x144xi32, #tpu.memory_space<vmem>>
    %dma_start3A_116 = tpu.memref_squeeze %dma_start3A_115 : memref<1x1x144xi32, #tpu.memory_space<vmem>> -> memref<144xi32, #tpu.memory_space<vmem>>
    %dma_start3A_117 = tpu.memref_slice %arg3[%dma_start3A_111, %add3A_110] : memref<2x320000xi32, #tpu.memory_space<hbm>> -> memref<1x144xi32, #tpu.memory_space<hbm>>
    %dma_start3A_118 = tpu.memref_squeeze %dma_start3A_117 : memref<1x144xi32, #tpu.memory_space<hbm>> -> memref<144xi32, #tpu.memory_space<hbm>>
    %dma_start3A_119 = arith.constant 0 : i32
    %dma_start3A_120 = tpu.memref_slice %arg5[%dma_start3A_112, %dma_start3A_113, %dma_start3A_119] : memref<4x2x144xi32, #tpu.memory_space<vmem>> -> memref<1x1x144xi32, #tpu.memory_space<vmem>>
    %dma_start3A_121 = tpu.memref_squeeze %dma_start3A_120 : memref<1x1x144xi32, #tpu.memory_space<vmem>> -> memref<144xi32, #tpu.memory_space<vmem>>
    %dma_start3A_122 = tpu.memref_slice %arg3[%dma_start3A_111, %add3A_110] : memref<2x320000xi32, #tpu.memory_space<hbm>> -> memref<1x144xi32, #tpu.memory_space<hbm>>
    %dma_start3A_123 = tpu.memref_squeeze %dma_start3A_122 : memref<1x144xi32, #tpu.memory_space<hbm>> -> memref<144xi32, #tpu.memory_space<hbm>>
    tpu.enqueue_dma source(%dma_start3A_123 : memref<144xi32, #tpu.memory_space<hbm>>) target(%dma_start3A_121 : memref<144xi32, #tpu.memory_space<vmem>>) target_semaphore(%arg10 : memref<!tpu.dma_semaphore, #tpu.memory_space<semaphore_mem>>)
    %dma_wait3A_124 = arith.constant 0 : i32
    %dma_wait3A_125 = arith.constant 0 : i32
    %dma_wait3A_126 = arith.constant 0 : i32
    %dma_wait3A_127 = arith.constant 0 : i32
    %dma_wait3A_128 = tpu.memref_slice %arg5[%dma_wait3A_125, %dma_wait3A_126, %dma_wait3A_127] : memref<4x2x144xi32, #tpu.memory_space<vmem>> -> memref<1x1x144xi32, #tpu.memory_space<vmem>>
    %dma_wait3A_129 = tpu.memref_squeeze %dma_wait3A_128 : memref<1x1x144xi32, #tpu.memory_space<vmem>> -> memref<144xi32, #tpu.memory_space<vmem>>
    %dma_wait3A_130 = arith.constant 0 : i32
    %dma_wait3A_131 = tpu.memref_slice %arg3[%dma_wait3A_124, %dma_wait3A_130] : memref<2x320000xi32, #tpu.memory_space<hbm>> -> memref<1x144xi32, #tpu.memory_space<hbm>>
    %dma_wait3A_132 = tpu.memref_squeeze %dma_wait3A_131 : memref<1x144xi32, #tpu.memory_space<hbm>> -> memref<144xi32, #tpu.memory_space<hbm>>
    %dma_wait3A_133 = arith.constant 0 : i32
    %dma_wait3A_134 = tpu.memref_slice %arg5[%dma_wait3A_125, %dma_wait3A_126, %dma_wait3A_133] : memref<4x2x144xi32, #tpu.memory_space<vmem>> -> memref<1x1x144xi32, #tpu.memory_space<vmem>>
    %dma_wait3A_135 = tpu.memref_squeeze %dma_wait3A_134 : memref<1x1x144xi32, #tpu.memory_space<vmem>> -> memref<144xi32, #tpu.memory_space<vmem>>
    %dma_wait3A_136 = arith.constant 0 : i32
    %dma_wait3A_137 = tpu.memref_slice %arg3[%dma_wait3A_124, %dma_wait3A_136] : memref<2x320000xi32, #tpu.memory_space<hbm>> -> memref<1x144xi32, #tpu.memory_space<hbm>>
    %dma_wait3A_138 = tpu.memref_squeeze %dma_wait3A_137 : memref<1x144xi32, #tpu.memory_space<hbm>> -> memref<144xi32, #tpu.memory_space<hbm>>
    tpu.wait_dma2 semaphore(%arg10 : memref<!tpu.dma_semaphore, #tpu.memory_space<semaphore_mem>>) src(%dma_wait3A_138 : memref<144xi32, #tpu.memory_space<hbm>>) dst(%dma_wait3A_135 : memref<144xi32, #tpu.memory_space<vmem>>)
    %dma_wait3A_139 = arith.constant 1 : i32
    %dma_wait3A_140 = arith.constant 0 : i32
    %dma_wait3A_141 = arith.constant 1 : i32
    %dma_wait3A_142 = arith.constant 0 : i32
    %dma_wait3A_143 = tpu.memref_slice %arg5[%dma_wait3A_140, %dma_wait3A_141, %dma_wait3A_142] : memref<4x2x144xi32, #tpu.memory_space<vmem>> -> memref<1x1x144xi32, #tpu.memory_space<vmem>>
    %dma_wait3A_144 = tpu.memref_squeeze %dma_wait3A_143 : memref<1x1x144xi32, #tpu.memory_space<vmem>> -> memref<144xi32, #tpu.memory_space<vmem>>
    %dma_wait3A_145 = arith.constant 0 : i32
    %dma_wait3A_146 = tpu.memref_slice %arg3[%dma_wait3A_139, %dma_wait3A_145] : memref<2x320000xi32, #tpu.memory_space<hbm>> -> memref<1x144xi32, #tpu.memory_space<hbm>>
    %dma_wait3A_147 = tpu.memref_squeeze %dma_wait3A_146 : memref<1x144xi32, #tpu.memory_space<hbm>> -> memref<144xi32, #tpu.memory_space<hbm>>
    %dma_wait3A_148 = arith.constant 0 : i32
    %dma_wait3A_149 = tpu.memref_slice %arg5[%dma_wait3A_140, %dma_wait3A_141, %dma_wait3A_148] : memref<4x2x144xi32, #tpu.memory_space<vmem>> -> memref<1x1x144xi32, #tpu.memory_space<vmem>>
    %dma_wait3A_150 = tpu.memref_squeeze %dma_wait3A_149 : memref<1x1x144xi32, #tpu.memory_space<vmem>> -> memref<144xi32, #tpu.memory_space<vmem>>
    %dma_wait3A_151 = arith.constant 0 : i32
    %dma_wait3A_152 = tpu.memref_slice %arg3[%dma_wait3A_139, %dma_wait3A_151] : memref<2x320000xi32, #tpu.memory_space<hbm>> -> memref<1x144xi32, #tpu.memory_space<hbm>>
    %dma_wait3A_153 = tpu.memref_squeeze %dma_wait3A_152 : memref<1x144xi32, #tpu.memory_space<hbm>> -> memref<144xi32, #tpu.memory_space<hbm>>
    tpu.wait_dma2 semaphore(%arg10 : memref<!tpu.dma_semaphore, #tpu.memory_space<semaphore_mem>>) src(%dma_wait3A_153 : memref<144xi32, #tpu.memory_space<hbm>>) dst(%dma_wait3A_150 : memref<144xi32, #tpu.memory_space<vmem>>)
    %rem3A = arith.constant 1 : i32
    %rem3A_154 = arith.constant 4 : i32
    %rem3A_155 = arith.remsi %rem3A, %rem3A_154 : i32
    %rem3A_156 = arith.constant 1 : i32
    %rem3A_157 = arith.constant 3 : i32
    %rem3A_158 = arith.remsi %rem3A_156, %rem3A_157 : i32
    %dma_start3A_159 = arith.constant 0 : i32
    %dma_start3A_160 = arith.constant 0 : i32
    %dma_start3A_161 = arith.constant 0 : i32
    %dma_start3A_162 = tpu.memref_slice %arg6[%rem3A_158, %dma_start3A_160, %dma_start3A_161] : memref<3x144x64xf32, #tpu.memory_space<vmem>> -> memref<1x144x64xf32, #tpu.memory_space<vmem>>
    %dma_start3A_163 = tpu.memref_squeeze %dma_start3A_162 : memref<1x144x64xf32, #tpu.memory_space<vmem>> -> memref<144x64xf32, #tpu.memory_space<vmem>>
    %dma_start3A_164 = arith.constant 0 : i32
    %dma_start3A_165 = tpu.memref_slice %arg5[%rem3A_155, %dma_start3A_159, %dma_start3A_164] : memref<4x2x144xi32, #tpu.memory_space<vmem>> -> memref<1x1x144xi32, #tpu.memory_space<vmem>>
    %dma_start3A_166 = tpu.memref_squeeze %dma_start3A_165 : memref<1x1x144xi32, #tpu.memory_space<vmem>> -> memref<144xi32, #tpu.memory_space<vmem>>
    %dma_start3A_167 = arith.constant 0 : i32
    %dma_start3A_168 = arith.constant 0 : i32
    %dma_start3A_169 = tpu.memref_slice %arg7[%dma_start3A_167, %dma_start3A_168] : memref<10000x64xf32, #tpu.memory_space<vmem_shared>> -> memref<10000x64xf32, #tpu.memory_space<vmem_shared>>
    tpu.enqueue_indirect_dma source(%dma_start3A_169 : memref<10000x64xf32, #tpu.memory_space<vmem_shared>>) target(%dma_start3A_163 : memref<144x64xf32, #tpu.memory_space<vmem>>) offsets(%dma_start3A_166 : memref<144xi32, #tpu.memory_space<vmem>>) semaphore(%arg12 : memref<!tpu.dma_semaphore, #tpu.memory_space<semaphore_mem>>)
    %rem3A_170 = arith.constant 2 : i32
    %rem3A_171 = arith.constant 4 : i32
    %rem3A_172 = arith.remsi %rem3A_170, %rem3A_171 : i32
    %add3A_173 = arith.constant 288 : i32
    %add3A_174 = arith.addi %mul3A_0, %add3A_173 : i32
    %dma_start3A_175 = arith.constant 0 : i32
    %dma_start3A_176 = arith.constant 0 : i32
    %dma_start3A_177 = arith.constant 0 : i32
    %dma_start3A_178 = tpu.memref_slice %arg5[%rem3A_172, %dma_start3A_176, %dma_start3A_177] : memref<4x2x144xi32, #tpu.memory_space<vmem>> -> memref<1x1x144xi32, #tpu.memory_space<vmem>>
    %dma_start3A_179 = tpu.memref_squeeze %dma_start3A_178 : memref<1x1x144xi32, #tpu.memory_space<vmem>> -> memref<144xi32, #tpu.memory_space<vmem>>
    %dma_start3A_180 = tpu.memref_slice %arg3[%dma_start3A_175, %add3A_174] : memref<2x320000xi32, #tpu.memory_space<hbm>> -> memref<1x144xi32, #tpu.memory_space<hbm>>
    %dma_start3A_181 = tpu.memref_squeeze %dma_start3A_180 : memref<1x144xi32, #tpu.memory_space<hbm>> -> memref<144xi32, #tpu.memory_space<hbm>>
    %dma_start3A_182 = arith.constant 0 : i32
    %dma_start3A_183 = tpu.memref_slice %arg5[%rem3A_172, %dma_start3A_176, %dma_start3A_182] : memref<4x2x144xi32, #tpu.memory_space<vmem>> -> memref<1x1x144xi32, #tpu.memory_space<vmem>>
    %dma_start3A_184 = tpu.memref_squeeze %dma_start3A_183 : memref<1x1x144xi32, #tpu.memory_space<vmem>> -> memref<144xi32, #tpu.memory_space<vmem>>
    %dma_start3A_185 = tpu.memref_slice %arg3[%dma_start3A_175, %add3A_174] : memref<2x320000xi32, #tpu.memory_space<hbm>> -> memref<1x144xi32, #tpu.memory_space<hbm>>
    %dma_start3A_186 = tpu.memref_squeeze %dma_start3A_185 : memref<1x144xi32, #tpu.memory_space<hbm>> -> memref<144xi32, #tpu.memory_space<hbm>>
    tpu.enqueue_dma source(%dma_start3A_186 : memref<144xi32, #tpu.memory_space<hbm>>) target(%dma_start3A_184 : memref<144xi32, #tpu.memory_space<vmem>>) target_semaphore(%arg9 : memref<!tpu.dma_semaphore, #tpu.memory_space<semaphore_mem>>)
    %add3A_187 = arith.constant 288 : i32
    %add3A_188 = arith.addi %mul3A_0, %add3A_187 : i32
    %dma_start3A_189 = arith.constant 1 : i32
    %dma_start3A_190 = arith.constant 1 : i32
    %dma_start3A_191 = arith.constant 0 : i32
    %dma_start3A_192 = tpu.memref_slice %arg5[%rem3A_172, %dma_start3A_190, %dma_start3A_191] : memref<4x2x144xi32, #tpu.memory_space<vmem>> -> memref<1x1x144xi32, #tpu.memory_space<vmem>>
    %dma_start3A_193 = tpu.memref_squeeze %dma_start3A_192 : memref<1x1x144xi32, #tpu.memory_space<vmem>> -> memref<144xi32, #tpu.memory_space<vmem>>
    %dma_start3A_194 = tpu.memref_slice %arg3[%dma_start3A_189, %add3A_188] : memref<2x320000xi32, #tpu.memory_space<hbm>> -> memref<1x144xi32, #tpu.memory_space<hbm>>
    %dma_start3A_195 = tpu.memref_squeeze %dma_start3A_194 : memref<1x144xi32, #tpu.memory_space<hbm>> -> memref<144xi32, #tpu.memory_space<hbm>>
    %dma_start3A_196 = arith.constant 0 : i32
    %dma_start3A_197 = tpu.memref_slice %arg5[%rem3A_172, %dma_start3A_190, %dma_start3A_196] : memref<4x2x144xi32, #tpu.memory_space<vmem>> -> memref<1x1x144xi32, #tpu.memory_space<vmem>>
    %dma_start3A_198 = tpu.memref_squeeze %dma_start3A_197 : memref<1x1x144xi32, #tpu.memory_space<vmem>> -> memref<144xi32, #tpu.memory_space<vmem>>
    %dma_start3A_199 = tpu.memref_slice %arg3[%dma_start3A_189, %add3A_188] : memref<2x320000xi32, #tpu.memory_space<hbm>> -> memref<1x144xi32, #tpu.memory_space<hbm>>
    %dma_start3A_200 = tpu.memref_squeeze %dma_start3A_199 : memref<1x144xi32, #tpu.memory_space<hbm>> -> memref<144xi32, #tpu.memory_space<hbm>>
    tpu.enqueue_dma source(%dma_start3A_200 : memref<144xi32, #tpu.memory_space<hbm>>) target(%dma_start3A_198 : memref<144xi32, #tpu.memory_space<vmem>>) target_semaphore(%arg9 : memref<!tpu.dma_semaphore, #tpu.memory_space<semaphore_mem>>)
    %dma_wait3A_201 = arith.constant 0 : i32
    %dma_wait3A_202 = arith.constant 0 : i32
    %dma_wait3A_203 = arith.constant 0 : i32
    %dma_wait3A_204 = arith.constant 0 : i32
    %dma_wait3A_205 = arith.constant 0 : i32
    %dma_wait3A_206 = tpu.memref_slice %arg6[%dma_wait3A_203, %dma_wait3A_204, %dma_wait3A_205] : memref<3x144x64xf32, #tpu.memory_space<vmem>> -> memref<1x144x64xf32, #tpu.memory_space<vmem>>
    %dma_wait3A_207 = tpu.memref_squeeze %dma_wait3A_206 : memref<1x144x64xf32, #tpu.memory_space<vmem>> -> memref<144x64xf32, #tpu.memory_space<vmem>>
    %dma_wait3A_208 = arith.constant 0 : i32
    %dma_wait3A_209 = tpu.memref_slice %arg5[%dma_wait3A_201, %dma_wait3A_202, %dma_wait3A_208] : memref<4x2x144xi32, #tpu.memory_space<vmem>> -> memref<1x1x144xi32, #tpu.memory_space<vmem>>
    %dma_wait3A_210 = tpu.memref_squeeze %dma_wait3A_209 : memref<1x1x144xi32, #tpu.memory_space<vmem>> -> memref<144xi32, #tpu.memory_space<vmem>>
    %dma_wait3A_211 = arith.constant 0 : i32
    %dma_wait3A_212 = arith.constant 0 : i32
    %dma_wait3A_213 = tpu.memref_slice %arg7[%dma_wait3A_211, %dma_wait3A_212] : memref<10000x64xf32, #tpu.memory_space<vmem_shared>> -> memref<10000x64xf32, #tpu.memory_space<vmem_shared>>
    tpu.wait_indirect_dma semaphore(%arg11 : memref<!tpu.dma_semaphore, #tpu.memory_space<semaphore_mem>>) src(%dma_wait3A_213 : memref<10000x64xf32, #tpu.memory_space<vmem_shared>>) dst(%dma_wait3A_207 : memref<144x64xf32, #tpu.memory_space<vmem>>)
    %rem3A_214 = arith.constant 0 : i32
    %rem3A_215 = arith.constant 4 : i32
    %rem3A_216 = arith.remsi %rem3A_214, %rem3A_215 : i32
    %rem3A_217 = arith.constant 0 : i32
    %rem3A_218 = arith.constant 3 : i32
    %rem3A_219 = arith.remsi %rem3A_217, %rem3A_218 : i32
    %dma_start3A_220 = arith.constant 1 : i32
    %dma_start3A_221 = arith.constant 0 : i32
    %dma_start3A_222 = arith.constant 0 : i32
    %dma_start3A_223 = tpu.memref_slice %arg6[%rem3A_219, %dma_start3A_221, %dma_start3A_222] : memref<3x144x64xf32, #tpu.memory_space<vmem>> -> memref<1x144x64xf32, #tpu.memory_space<vmem>>
    %dma_start3A_224 = tpu.memref_squeeze %dma_start3A_223 : memref<1x144x64xf32, #tpu.memory_space<vmem>> -> memref<144x64xf32, #tpu.memory_space<vmem>>
    %dma_start3A_225 = arith.constant 0 : i32
    %dma_start3A_226 = tpu.memref_slice %arg5[%rem3A_216, %dma_start3A_220, %dma_start3A_225] : memref<4x2x144xi32, #tpu.memory_space<vmem>> -> memref<1x1x144xi32, #tpu.memory_space<vmem>>
    %dma_start3A_227 = tpu.memref_squeeze %dma_start3A_226 : memref<1x1x144xi32, #tpu.memory_space<vmem>> -> memref<144xi32, #tpu.memory_space<vmem>>
    %dma_start3A_228 = arith.constant 0 : i32
    %dma_start3A_229 = arith.constant 0 : i32
    %dma_start3A_230 = tpu.memref_slice %arg8[%dma_start3A_228, %dma_start3A_229] : memref<10008x64xf32, #tpu.memory_space<vmem_shared>> -> memref<10008x64xf32, #tpu.memory_space<vmem_shared>>
    tpu.enqueue_indirect_dma source(%dma_start3A_224 : memref<144x64xf32, #tpu.memory_space<vmem>>) target(%dma_start3A_230 : memref<10008x64xf32, #tpu.memory_space<vmem_shared>>) offsets(%dma_start3A_227 : memref<144xi32, #tpu.memory_space<vmem>>) semaphore(%arg13 : memref<!tpu.dma_semaphore, #tpu.memory_space<semaphore_mem>>) {add = true}
    %dma_wait3A_231 = arith.constant 0 : i32
    %dma_wait3A_232 = arith.constant 0 : i32
    %dma_wait3A_233 = arith.constant 0 : i32
    %dma_wait3A_234 = arith.constant 0 : i32
    %dma_wait3A_235 = tpu.memref_slice %arg5[%dma_wait3A_232, %dma_wait3A_233, %dma_wait3A_234] : memref<4x2x144xi32, #tpu.memory_space<vmem>> -> memref<1x1x144xi32, #tpu.memory_space<vmem>>
    %dma_wait3A_236 = tpu.memref_squeeze %dma_wait3A_235 : memref<1x1x144xi32, #tpu.memory_space<vmem>> -> memref<144xi32, #tpu.memory_space<vmem>>
    %dma_wait3A_237 = arith.constant 0 : i32
    %dma_wait3A_238 = tpu.memref_slice %arg3[%dma_wait3A_231, %dma_wait3A_237] : memref<2x320000xi32, #tpu.memory_space<hbm>> -> memref<1x144xi32, #tpu.memory_space<hbm>>
    %dma_wait3A_239 = tpu.memref_squeeze %dma_wait3A_238 : memref<1x144xi32, #tpu.memory_space<hbm>> -> memref<144xi32, #tpu.memory_space<hbm>>
    %dma_wait3A_240 = arith.constant 0 : i32
    %dma_wait3A_241 = tpu.memref_slice %arg5[%dma_wait3A_232, %dma_wait3A_233, %dma_wait3A_240] : memref<4x2x144xi32, #tpu.memory_space<vmem>> -> memref<1x1x144xi32, #tpu.memory_space<vmem>>
    %dma_wait3A_242 = tpu.memref_squeeze %dma_wait3A_241 : memref<1x1x144xi32, #tpu.memory_space<vmem>> -> memref<144xi32, #tpu.memory_space<vmem>>
    %dma_wait3A_243 = arith.constant 0 : i32
    %dma_wait3A_244 = tpu.memref_slice %arg3[%dma_wait3A_231, %dma_wait3A_243] : memref<2x320000xi32, #tpu.memory_space<hbm>> -> memref<1x144xi32, #tpu.memory_space<hbm>>
    %dma_wait3A_245 = tpu.memref_squeeze %dma_wait3A_244 : memref<1x144xi32, #tpu.memory_space<hbm>> -> memref<144xi32, #tpu.memory_space<hbm>>
    tpu.wait_dma2 semaphore(%arg9 : memref<!tpu.dma_semaphore, #tpu.memory_space<semaphore_mem>>) src(%dma_wait3A_245 : memref<144xi32, #tpu.memory_space<hbm>>) dst(%dma_wait3A_242 : memref<144xi32, #tpu.memory_space<vmem>>)
    %dma_wait3A_246 = arith.constant 1 : i32
    %dma_wait3A_247 = arith.constant 0 : i32
    %dma_wait3A_248 = arith.constant 1 : i32
    %dma_wait3A_249 = arith.constant 0 : i32
    %dma_wait3A_250 = tpu.memref_slice %arg5[%dma_wait3A_247, %dma_wait3A_248, %dma_wait3A_249] : memref<4x2x144xi32, #tpu.memory_space<vmem>> -> memref<1x1x144xi32, #tpu.memory_space<vmem>>
    %dma_wait3A_251 = tpu.memref_squeeze %dma_wait3A_250 : memref<1x1x144xi32, #tpu.memory_space<vmem>> -> memref<144xi32, #tpu.memory_space<vmem>>
    %dma_wait3A_252 = arith.constant 0 : i32
    %dma_wait3A_253 = tpu.memref_slice %arg3[%dma_wait3A_246, %dma_wait3A_252] : memref<2x320000xi32, #tpu.memory_space<hbm>> -> memref<1x144xi32, #tpu.memory_space<hbm>>
    %dma_wait3A_254 = tpu.memref_squeeze %dma_wait3A_253 : memref<1x144xi32, #tpu.memory_space<hbm>> -> memref<144xi32, #tpu.memory_space<hbm>>
    %dma_wait3A_255 = arith.constant 0 : i32
    %dma_wait3A_256 = tpu.memref_slice %arg5[%dma_wait3A_247, %dma_wait3A_248, %dma_wait3A_255] : memref<4x2x144xi32, #tpu.memory_space<vmem>> -> memref<1x1x144xi32, #tpu.memory_space<vmem>>
    %dma_wait3A_257 = tpu.memref_squeeze %dma_wait3A_256 : memref<1x1x144xi32, #tpu.memory_space<vmem>> -> memref<144xi32, #tpu.memory_space<vmem>>
    %dma_wait3A_258 = arith.constant 0 : i32
    %dma_wait3A_259 = tpu.memref_slice %arg3[%dma_wait3A_246, %dma_wait3A_258] : memref<2x320000xi32, #tpu.memory_space<hbm>> -> memref<1x144xi32, #tpu.memory_space<hbm>>
    %dma_wait3A_260 = tpu.memref_squeeze %dma_wait3A_259 : memref<1x144xi32, #tpu.memory_space<hbm>> -> memref<144xi32, #tpu.memory_space<hbm>>
    tpu.wait_dma2 semaphore(%arg9 : memref<!tpu.dma_semaphore, #tpu.memory_space<semaphore_mem>>) src(%dma_wait3A_260 : memref<144xi32, #tpu.memory_space<hbm>>) dst(%dma_wait3A_257 : memref<144xi32, #tpu.memory_space<vmem>>)
    %rem3A_261 = arith.constant 2 : i32
    %rem3A_262 = arith.constant 4 : i32
    %rem3A_263 = arith.remsi %rem3A_261, %rem3A_262 : i32
    %rem3A_264 = arith.constant 2 : i32
    %rem3A_265 = arith.constant 3 : i32
    %rem3A_266 = arith.remsi %rem3A_264, %rem3A_265 : i32
    %dma_start3A_267 = arith.constant 0 : i32
    %dma_start3A_268 = arith.constant 0 : i32
    %dma_start3A_269 = arith.constant 0 : i32
    %dma_start3A_270 = tpu.memref_slice %arg6[%rem3A_266, %dma_start3A_268, %dma_start3A_269] : memref<3x144x64xf32, #tpu.memory_space<vmem>> -> memref<1x144x64xf32, #tpu.memory_space<vmem>>
    %dma_start3A_271 = tpu.memref_squeeze %dma_start3A_270 : memref<1x144x64xf32, #tpu.memory_space<vmem>> -> memref<144x64xf32, #tpu.memory_space<vmem>>
    %dma_start3A_272 = arith.constant 0 : i32
    %dma_start3A_273 = tpu.memref_slice %arg5[%rem3A_263, %dma_start3A_267, %dma_start3A_272] : memref<4x2x144xi32, #tpu.memory_space<vmem>> -> memref<1x1x144xi32, #tpu.memory_space<vmem>>
    %dma_start3A_274 = tpu.memref_squeeze %dma_start3A_273 : memref<1x1x144xi32, #tpu.memory_space<vmem>> -> memref<144xi32, #tpu.memory_space<vmem>>
    %dma_start3A_275 = arith.constant 0 : i32
    %dma_start3A_276 = arith.constant 0 : i32
    %dma_start3A_277 = tpu.memref_slice %arg7[%dma_start3A_275, %dma_start3A_276] : memref<10000x64xf32, #tpu.memory_space<vmem_shared>> -> memref<10000x64xf32, #tpu.memory_space<vmem_shared>>
    tpu.enqueue_indirect_dma source(%dma_start3A_277 : memref<10000x64xf32, #tpu.memory_space<vmem_shared>>) target(%dma_start3A_271 : memref<144x64xf32, #tpu.memory_space<vmem>>) offsets(%dma_start3A_274 : memref<144xi32, #tpu.memory_space<vmem>>) semaphore(%arg11 : memref<!tpu.dma_semaphore, #tpu.memory_space<semaphore_mem>>)
    %rem3A_278 = arith.constant 3 : i32
    %rem3A_279 = arith.constant 4 : i32
    %rem3A_280 = arith.remsi %rem3A_278, %rem3A_279 : i32
    %add3A_281 = arith.constant 432 : i32
    %add3A_282 = arith.addi %mul3A_0, %add3A_281 : i32
    %dma_start3A_283 = arith.constant 0 : i32
    %dma_start3A_284 = arith.constant 0 : i32
    %dma_start3A_285 = arith.constant 0 : i32
    %dma_start3A_286 = tpu.memref_slice %arg5[%rem3A_280, %dma_start3A_284, %dma_start3A_285] : memref<4x2x144xi32, #tpu.memory_space<vmem>> -> memref<1x1x144xi32, #tpu.memory_space<vmem>>
    %dma_start3A_287 = tpu.memref_squeeze %dma_start3A_286 : memref<1x1x144xi32, #tpu.memory_space<vmem>> -> memref<144xi32, #tpu.memory_space<vmem>>
    %dma_start3A_288 = tpu.memref_slice %arg3[%dma_start3A_283, %add3A_282] : memref<2x320000xi32, #tpu.memory_space<hbm>> -> memref<1x144xi32, #tpu.memory_space<hbm>>
    %dma_start3A_289 = tpu.memref_squeeze %dma_start3A_288 : memref<1x144xi32, #tpu.memory_space<hbm>> -> memref<144xi32, #tpu.memory_space<hbm>>
    %dma_start3A_290 = arith.constant 0 : i32
    %dma_start3A_291 = tpu.memref_slice %arg5[%rem3A_280, %dma_start3A_284, %dma_start3A_290] : memref<4x2x144xi32, #tpu.memory_space<vmem>> -> memref<1x1x144xi32, #tpu.memory_space<vmem>>
    %dma_start3A_292 = tpu.memref_squeeze %dma_start3A_291 : memref<1x1x144xi32, #tpu.memory_space<vmem>> -> memref<144xi32, #tpu.memory_space<vmem>>
    %dma_start3A_293 = tpu.memref_slice %arg3[%dma_start3A_283, %add3A_282] : memref<2x320000xi32, #tpu.memory_space<hbm>> -> memref<1x144xi32, #tpu.memory_space<hbm>>
    %dma_start3A_294 = tpu.memref_squeeze %dma_start3A_293 : memref<1x144xi32, #tpu.memory_space<hbm>> -> memref<144xi32, #tpu.memory_space<hbm>>
    tpu.enqueue_dma source(%dma_start3A_294 : memref<144xi32, #tpu.memory_space<hbm>>) target(%dma_start3A_292 : memref<144xi32, #tpu.memory_space<vmem>>) target_semaphore(%arg10 : memref<!tpu.dma_semaphore, #tpu.memory_space<semaphore_mem>>)
    %add3A_295 = arith.constant 432 : i32
    %add3A_296 = arith.addi %mul3A_0, %add3A_295 : i32
    %dma_start3A_297 = arith.constant 1 : i32
    %dma_start3A_298 = arith.constant 1 : i32
    %dma_start3A_299 = arith.constant 0 : i32
    %dma_start3A_300 = tpu.memref_slice %arg5[%rem3A_280, %dma_start3A_298, %dma_start3A_299] : memref<4x2x144xi32, #tpu.memory_space<vmem>> -> memref<1x1x144xi32, #tpu.memory_space<vmem>>
    %dma_start3A_301 = tpu.memref_squeeze %dma_start3A_300 : memref<1x1x144xi32, #tpu.memory_space<vmem>> -> memref<144xi32, #tpu.memory_space<vmem>>
    %dma_start3A_302 = tpu.memref_slice %arg3[%dma_start3A_297, %add3A_296] : memref<2x320000xi32, #tpu.memory_space<hbm>> -> memref<1x144xi32, #tpu.memory_space<hbm>>
    %dma_start3A_303 = tpu.memref_squeeze %dma_start3A_302 : memref<1x144xi32, #tpu.memory_space<hbm>> -> memref<144xi32, #tpu.memory_space<hbm>>
    %dma_start3A_304 = arith.constant 0 : i32
    %dma_start3A_305 = tpu.memref_slice %arg5[%rem3A_280, %dma_start3A_298, %dma_start3A_304] : memref<4x2x144xi32, #tpu.memory_space<vmem>> -> memref<1x1x144xi32, #tpu.memory_space<vmem>>
    %dma_start3A_306 = tpu.memref_squeeze %dma_start3A_305 : memref<1x1x144xi32, #tpu.memory_space<vmem>> -> memref<144xi32, #tpu.memory_space<vmem>>
    %dma_start3A_307 = tpu.memref_slice %arg3[%dma_start3A_297, %add3A_296] : memref<2x320000xi32, #tpu.memory_space<hbm>> -> memref<1x144xi32, #tpu.memory_space<hbm>>
    %dma_start3A_308 = tpu.memref_squeeze %dma_start3A_307 : memref<1x144xi32, #tpu.memory_space<hbm>> -> memref<144xi32, #tpu.memory_space<hbm>>
    tpu.enqueue_dma source(%dma_start3A_308 : memref<144xi32, #tpu.memory_space<hbm>>) target(%dma_start3A_306 : memref<144xi32, #tpu.memory_space<vmem>>) target_semaphore(%arg10 : memref<!tpu.dma_semaphore, #tpu.memory_space<semaphore_mem>>)
    %dma_wait3A_309 = arith.constant 0 : i32
    %dma_wait3A_310 = arith.constant 0 : i32
    %dma_wait3A_311 = arith.constant 0 : i32
    %dma_wait3A_312 = arith.constant 0 : i32
    %dma_wait3A_313 = arith.constant 0 : i32
    %dma_wait3A_314 = tpu.memref_slice %arg6[%dma_wait3A_311, %dma_wait3A_312, %dma_wait3A_313] : memref<3x144x64xf32, #tpu.memory_space<vmem>> -> memref<1x144x64xf32, #tpu.memory_space<vmem>>
    %dma_wait3A_315 = tpu.memref_squeeze %dma_wait3A_314 : memref<1x144x64xf32, #tpu.memory_space<vmem>> -> memref<144x64xf32, #tpu.memory_space<vmem>>
    %dma_wait3A_316 = arith.constant 0 : i32
    %dma_wait3A_317 = tpu.memref_slice %arg5[%dma_wait3A_309, %dma_wait3A_310, %dma_wait3A_316] : memref<4x2x144xi32, #tpu.memory_space<vmem>> -> memref<1x1x144xi32, #tpu.memory_space<vmem>>
    %dma_wait3A_318 = tpu.memref_squeeze %dma_wait3A_317 : memref<1x1x144xi32, #tpu.memory_space<vmem>> -> memref<144xi32, #tpu.memory_space<vmem>>
    %dma_wait3A_319 = arith.constant 0 : i32
    %dma_wait3A_320 = arith.constant 0 : i32
    %dma_wait3A_321 = tpu.memref_slice %arg7[%dma_wait3A_319, %dma_wait3A_320] : memref<10000x64xf32, #tpu.memory_space<vmem_shared>> -> memref<10000x64xf32, #tpu.memory_space<vmem_shared>>
    tpu.wait_indirect_dma semaphore(%arg12 : memref<!tpu.dma_semaphore, #tpu.memory_space<semaphore_mem>>) src(%dma_wait3A_321 : memref<10000x64xf32, #tpu.memory_space<vmem_shared>>) dst(%dma_wait3A_315 : memref<144x64xf32, #tpu.memory_space<vmem>>)
    %rem3A_322 = arith.constant 1 : i32
    %rem3A_323 = arith.constant 4 : i32
    %rem3A_324 = arith.remsi %rem3A_322, %rem3A_323 : i32
    %rem3A_325 = arith.constant 1 : i32
    %rem3A_326 = arith.constant 3 : i32
    %rem3A_327 = arith.remsi %rem3A_325, %rem3A_326 : i32
    %dma_start3A_328 = arith.constant 1 : i32
    %dma_start3A_329 = arith.constant 0 : i32
    %dma_start3A_330 = arith.constant 0 : i32
    %dma_start3A_331 = tpu.memref_slice %arg6[%rem3A_327, %dma_start3A_329, %dma_start3A_330] : memref<3x144x64xf32, #tpu.memory_space<vmem>> -> memref<1x144x64xf32, #tpu.memory_space<vmem>>
    %dma_start3A_332 = tpu.memref_squeeze %dma_start3A_331 : memref<1x144x64xf32, #tpu.memory_space<vmem>> -> memref<144x64xf32, #tpu.memory_space<vmem>>
    %dma_start3A_333 = arith.constant 0 : i32
    %dma_start3A_334 = tpu.memref_slice %arg5[%rem3A_324, %dma_start3A_328, %dma_start3A_333] : memref<4x2x144xi32, #tpu.memory_space<vmem>> -> memref<1x1x144xi32, #tpu.memory_space<vmem>>
    %dma_start3A_335 = tpu.memref_squeeze %dma_start3A_334 : memref<1x1x144xi32, #tpu.memory_space<vmem>> -> memref<144xi32, #tpu.memory_space<vmem>>
    %dma_start3A_336 = arith.constant 0 : i32
    %dma_start3A_337 = arith.constant 0 : i32
    %dma_start3A_338 = tpu.memref_slice %arg8[%dma_start3A_336, %dma_start3A_337] : memref<10008x64xf32, #tpu.memory_space<vmem_shared>> -> memref<10008x64xf32, #tpu.memory_space<vmem_shared>>
    tpu.enqueue_indirect_dma source(%dma_start3A_332 : memref<144x64xf32, #tpu.memory_space<vmem>>) target(%dma_start3A_338 : memref<10008x64xf32, #tpu.memory_space<vmem_shared>>) offsets(%dma_start3A_335 : memref<144xi32, #tpu.memory_space<vmem>>) semaphore(%arg14 : memref<!tpu.dma_semaphore, #tpu.memory_space<semaphore_mem>>) {add = true}
    %scan3A_339 = arith.constant 1 : i32
    %scan3A_340 = arith.constant 67 : i32
    %scan3A_341 = arith.addi %scan3A_339, %scan3A_340 : i32
    %scan3A_342 = arith.constant 1 : i32
    scf.for %scan3A_575 = %scan3A_339 to %scan3A_341 step %scan3A_342  : i32 {
      %mul3A_576 = arith.constant 2 : i32
      %mul3A_577 = arith.muli %mul3A_576, %scan3A_575 : i32
      %dma_wait3A_578 = arith.constant 0 : i32
      %dma_wait3A_579 = arith.constant 0 : i32
      %dma_wait3A_580 = arith.constant 1 : i32
      %dma_wait3A_581 = arith.constant 0 : i32
      %dma_wait3A_582 = arith.constant 0 : i32
      %dma_wait3A_583 = tpu.memref_slice %arg6[%dma_wait3A_578, %dma_wait3A_581, %dma_wait3A_582] : memref<3x144x64xf32, #tpu.memory_space<vmem>> -> memref<1x144x64xf32, #tpu.memory_space<vmem>>
      %dma_wait3A_584 = tpu.memref_squeeze %dma_wait3A_583 : memref<1x144x64xf32, #tpu.memory_space<vmem>> -> memref<144x64xf32, #tpu.memory_space<vmem>>
      %dma_wait3A_585 = arith.constant 0 : i32
      %dma_wait3A_586 = tpu.memref_slice %arg5[%dma_wait3A_579, %dma_wait3A_580, %dma_wait3A_585] : memref<4x2x144xi32, #tpu.memory_space<vmem>> -> memref<1x1x144xi32, #tpu.memory_space<vmem>>
      %dma_wait3A_587 = tpu.memref_squeeze %dma_wait3A_586 : memref<1x1x144xi32, #tpu.memory_space<vmem>> -> memref<144xi32, #tpu.memory_space<vmem>>
      %dma_wait3A_588 = arith.constant 0 : i32
      %dma_wait3A_589 = arith.constant 0 : i32
      %dma_wait3A_590 = tpu.memref_slice %arg8[%dma_wait3A_588, %dma_wait3A_589] : memref<10008x64xf32, #tpu.memory_space<vmem_shared>> -> memref<10008x64xf32, #tpu.memory_space<vmem_shared>>
      tpu.wait_indirect_dma semaphore(%arg13 : memref<!tpu.dma_semaphore, #tpu.memory_space<semaphore_mem>>) src(%dma_wait3A_584 : memref<144x64xf32, #tpu.memory_space<vmem>>) dst(%dma_wait3A_590 : memref<10008x64xf32, #tpu.memory_space<vmem_shared>>)
      %dma_wait3A_591 = arith.constant 0 : i32
      %dma_wait3A_592 = arith.constant 0 : i32
      %dma_wait3A_593 = arith.constant 0 : i32
      %dma_wait3A_594 = arith.constant 0 : i32
      %dma_wait3A_595 = tpu.memref_slice %arg5[%dma_wait3A_592, %dma_wait3A_593, %dma_wait3A_594] : memref<4x2x144xi32, #tpu.memory_space<vmem>> -> memref<1x1x144xi32, #tpu.memory_space<vmem>>
      %dma_wait3A_596 = tpu.memref_squeeze %dma_wait3A_595 : memref<1x1x144xi32, #tpu.memory_space<vmem>> -> memref<144xi32, #tpu.memory_space<vmem>>
      %dma_wait3A_597 = arith.constant 0 : i32
      %dma_wait3A_598 = tpu.memref_slice %arg3[%dma_wait3A_591, %dma_wait3A_597] : memref<2x320000xi32, #tpu.memory_space<hbm>> -> memref<1x144xi32, #tpu.memory_space<hbm>>
      %dma_wait3A_599 = tpu.memref_squeeze %dma_wait3A_598 : memref<1x144xi32, #tpu.memory_space<hbm>> -> memref<144xi32, #tpu.memory_space<hbm>>
      %dma_wait3A_600 = arith.constant 0 : i32
      %dma_wait3A_601 = tpu.memref_slice %arg5[%dma_wait3A_592, %dma_wait3A_593, %dma_wait3A_600] : memref<4x2x144xi32, #tpu.memory_space<vmem>> -> memref<1x1x144xi32, #tpu.memory_space<vmem>>
      %dma_wait3A_602 = tpu.memref_squeeze %dma_wait3A_601 : memref<1x1x144xi32, #tpu.memory_space<vmem>> -> memref<144xi32, #tpu.memory_space<vmem>>
      %dma_wait3A_603 = arith.constant 0 : i32
      %dma_wait3A_604 = tpu.memref_slice %arg3[%dma_wait3A_591, %dma_wait3A_603] : memref<2x320000xi32, #tpu.memory_space<hbm>> -> memref<1x144xi32, #tpu.memory_space<hbm>>
      %dma_wait3A_605 = tpu.memref_squeeze %dma_wait3A_604 : memref<1x144xi32, #tpu.memory_space<hbm>> -> memref<144xi32, #tpu.memory_space<hbm>>
      tpu.wait_dma2 semaphore(%arg10 : memref<!tpu.dma_semaphore, #tpu.memory_space<semaphore_mem>>) src(%dma_wait3A_605 : memref<144xi32, #tpu.memory_space<hbm>>) dst(%dma_wait3A_602 : memref<144xi32, #tpu.memory_space<vmem>>)
      %dma_wait3A_606 = arith.constant 1 : i32
      %dma_wait3A_607 = arith.constant 0 : i32
      %dma_wait3A_608 = arith.constant 1 : i32
      %dma_wait3A_609 = arith.constant 0 : i32
      %dma_wait3A_610 = tpu.memref_slice %arg5[%dma_wait3A_607, %dma_wait3A_608, %dma_wait3A_609] : memref<4x2x144xi32, #tpu.memory_space<vmem>> -> memref<1x1x144xi32, #tpu.memory_space<vmem>>
      %dma_wait3A_611 = tpu.memref_squeeze %dma_wait3A_610 : memref<1x1x144xi32, #tpu.memory_space<vmem>> -> memref<144xi32, #tpu.memory_space<vmem>>
      %dma_wait3A_612 = arith.constant 0 : i32
      %dma_wait3A_613 = tpu.memref_slice %arg3[%dma_wait3A_606, %dma_wait3A_612] : memref<2x320000xi32, #tpu.memory_space<hbm>> -> memref<1x144xi32, #tpu.memory_space<hbm>>
      %dma_wait3A_614 = tpu.memref_squeeze %dma_wait3A_613 : memref<1x144xi32, #tpu.memory_space<hbm>> -> memref<144xi32, #tpu.memory_space<hbm>>
      %dma_wait3A_615 = arith.constant 0 : i32
      %dma_wait3A_616 = tpu.memref_slice %arg5[%dma_wait3A_607, %dma_wait3A_608, %dma_wait3A_615] : memref<4x2x144xi32, #tpu.memory_space<vmem>> -> memref<1x1x144xi32, #tpu.memory_space<vmem>>
      %dma_wait3A_617 = tpu.memref_squeeze %dma_wait3A_616 : memref<1x1x144xi32, #tpu.memory_space<vmem>> -> memref<144xi32, #tpu.memory_space<vmem>>
      %dma_wait3A_618 = arith.constant 0 : i32
      %dma_wait3A_619 = tpu.memref_slice %arg3[%dma_wait3A_606, %dma_wait3A_618] : memref<2x320000xi32, #tpu.memory_space<hbm>> -> memref<1x144xi32, #tpu.memory_space<hbm>>
      %dma_wait3A_620 = tpu.memref_squeeze %dma_wait3A_619 : memref<1x144xi32, #tpu.memory_space<hbm>> -> memref<144xi32, #tpu.memory_space<hbm>>
      tpu.wait_dma2 semaphore(%arg10 : memref<!tpu.dma_semaphore, #tpu.memory_space<semaphore_mem>>) src(%dma_wait3A_620 : memref<144xi32, #tpu.memory_space<hbm>>) dst(%dma_wait3A_617 : memref<144xi32, #tpu.memory_space<vmem>>)
      %add3A_621 = arith.constant 1 : i32
      %add3A_622 = arith.addi %mul3A_577, %add3A_621 : i32
      %rem3A_623 = arith.constant 4 : i32
      %rem3A_624 = arith.remsi %add3A_622, %rem3A_623 : i32
      %add3A_625 = arith.constant 1 : i32
      %add3A_626 = arith.addi %mul3A_577, %add3A_625 : i32
      %rem3A_627 = arith.constant 3 : i32
      %rem3A_628 = arith.remsi %add3A_626, %rem3A_627 : i32
      %dma_start3A_629 = arith.constant 0 : i32
      %dma_start3A_630 = arith.constant 0 : i32
      %dma_start3A_631 = arith.constant 0 : i32
      %dma_start3A_632 = tpu.memref_slice %arg6[%rem3A_628, %dma_start3A_630, %dma_start3A_631] : memref<3x144x64xf32, #tpu.memory_space<vmem>> -> memref<1x144x64xf32, #tpu.memory_space<vmem>>
      %dma_start3A_633 = tpu.memref_squeeze %dma_start3A_632 : memref<1x144x64xf32, #tpu.memory_space<vmem>> -> memref<144x64xf32, #tpu.memory_space<vmem>>
      %dma_start3A_634 = arith.constant 0 : i32
      %dma_start3A_635 = tpu.memref_slice %arg5[%rem3A_624, %dma_start3A_629, %dma_start3A_634] : memref<4x2x144xi32, #tpu.memory_space<vmem>> -> memref<1x1x144xi32, #tpu.memory_space<vmem>>
      %dma_start3A_636 = tpu.memref_squeeze %dma_start3A_635 : memref<1x1x144xi32, #tpu.memory_space<vmem>> -> memref<144xi32, #tpu.memory_space<vmem>>
      %dma_start3A_637 = arith.constant 0 : i32
      %dma_start3A_638 = arith.constant 0 : i32
      %dma_start3A_639 = tpu.memref_slice %arg7[%dma_start3A_637, %dma_start3A_638] : memref<10000x64xf32, #tpu.memory_space<vmem_shared>> -> memref<10000x64xf32, #tpu.memory_space<vmem_shared>>
      tpu.enqueue_indirect_dma source(%dma_start3A_639 : memref<10000x64xf32, #tpu.memory_space<vmem_shared>>) target(%dma_start3A_633 : memref<144x64xf32, #tpu.memory_space<vmem>>) offsets(%dma_start3A_636 : memref<144xi32, #tpu.memory_space<vmem>>) semaphore(%arg12 : memref<!tpu.dma_semaphore, #tpu.memory_space<semaphore_mem>>)
      %add3A_640 = arith.constant 2 : i32
      %add3A_641 = arith.addi %mul3A_577, %add3A_640 : i32
      %add3A_642 = arith.constant 2 : i32
      %add3A_643 = arith.addi %mul3A_577, %add3A_642 : i32
      %rem3A_644 = arith.constant 4 : i32
      %rem3A_645 = arith.remsi %add3A_643, %rem3A_644 : i32
      %mul3A_646 = arith.constant 144 : i32
      %mul3A_647 = arith.muli %add3A_641, %mul3A_646 : i32
      %add3A_648 = arith.addi %mul3A_0, %mul3A_647 : i32
      %dma_start3A_649 = arith.constant 0 : i32
      %dma_start3A_650 = arith.constant 0 : i32
      %dma_start3A_651 = arith.constant 0 : i32
      %dma_start3A_652 = tpu.memref_slice %arg5[%rem3A_645, %dma_start3A_650, %dma_start3A_651] : memref<4x2x144xi32, #tpu.memory_space<vmem>> -> memref<1x1x144xi32, #tpu.memory_space<vmem>>
      %dma_start3A_653 = tpu.memref_squeeze %dma_start3A_652 : memref<1x1x144xi32, #tpu.memory_space<vmem>> -> memref<144xi32, #tpu.memory_space<vmem>>
      %dma_start3A_654 = tpu.memref_slice %arg3[%dma_start3A_649, %add3A_648] : memref<2x320000xi32, #tpu.memory_space<hbm>> -> memref<1x144xi32, #tpu.memory_space<hbm>>
      %dma_start3A_655 = tpu.memref_squeeze %dma_start3A_654 : memref<1x144xi32, #tpu.memory_space<hbm>> -> memref<144xi32, #tpu.memory_space<hbm>>
      %dma_start3A_656 = arith.constant 0 : i32
      %dma_start3A_657 = tpu.memref_slice %arg5[%rem3A_645, %dma_start3A_650, %dma_start3A_656] : memref<4x2x144xi32, #tpu.memory_space<vmem>> -> memref<1x1x144xi32, #tpu.memory_space<vmem>>
      %dma_start3A_658 = tpu.memref_squeeze %dma_start3A_657 : memref<1x1x144xi32, #tpu.memory_space<vmem>> -> memref<144xi32, #tpu.memory_space<vmem>>
      %dma_start3A_659 = tpu.memref_slice %arg3[%dma_start3A_649, %add3A_648] : memref<2x320000xi32, #tpu.memory_space<hbm>> -> memref<1x144xi32, #tpu.memory_space<hbm>>
      %dma_start3A_660 = tpu.memref_squeeze %dma_start3A_659 : memref<1x144xi32, #tpu.memory_space<hbm>> -> memref<144xi32, #tpu.memory_space<hbm>>
      tpu.enqueue_dma source(%dma_start3A_660 : memref<144xi32, #tpu.memory_space<hbm>>) target(%dma_start3A_658 : memref<144xi32, #tpu.memory_space<vmem>>) target_semaphore(%arg9 : memref<!tpu.dma_semaphore, #tpu.memory_space<semaphore_mem>>)
      %mul3A_661 = arith.constant 144 : i32
      %mul3A_662 = arith.muli %add3A_641, %mul3A_661 : i32
      %add3A_663 = arith.addi %mul3A_0, %mul3A_662 : i32
      %dma_start3A_664 = arith.constant 1 : i32
      %dma_start3A_665 = arith.constant 1 : i32
      %dma_start3A_666 = arith.constant 0 : i32
      %dma_start3A_667 = tpu.memref_slice %arg5[%rem3A_645, %dma_start3A_665, %dma_start3A_666] : memref<4x2x144xi32, #tpu.memory_space<vmem>> -> memref<1x1x144xi32, #tpu.memory_space<vmem>>
      %dma_start3A_668 = tpu.memref_squeeze %dma_start3A_667 : memref<1x1x144xi32, #tpu.memory_space<vmem>> -> memref<144xi32, #tpu.memory_space<vmem>>
      %dma_start3A_669 = tpu.memref_slice %arg3[%dma_start3A_664, %add3A_663] : memref<2x320000xi32, #tpu.memory_space<hbm>> -> memref<1x144xi32, #tpu.memory_space<hbm>>
      %dma_start3A_670 = tpu.memref_squeeze %dma_start3A_669 : memref<1x144xi32, #tpu.memory_space<hbm>> -> memref<144xi32, #tpu.memory_space<hbm>>
      %dma_start3A_671 = arith.constant 0 : i32
      %dma_start3A_672 = tpu.memref_slice %arg5[%rem3A_645, %dma_start3A_665, %dma_start3A_671] : memref<4x2x144xi32, #tpu.memory_space<vmem>> -> memref<1x1x144xi32, #tpu.memory_space<vmem>>
      %dma_start3A_673 = tpu.memref_squeeze %dma_start3A_672 : memref<1x1x144xi32, #tpu.memory_space<vmem>> -> memref<144xi32, #tpu.memory_space<vmem>>
      %dma_start3A_674 = tpu.memref_slice %arg3[%dma_start3A_664, %add3A_663] : memref<2x320000xi32, #tpu.memory_space<hbm>> -> memref<1x144xi32, #tpu.memory_space<hbm>>
      %dma_start3A_675 = tpu.memref_squeeze %dma_start3A_674 : memref<1x144xi32, #tpu.memory_space<hbm>> -> memref<144xi32, #tpu.memory_space<hbm>>
      tpu.enqueue_dma source(%dma_start3A_675 : memref<144xi32, #tpu.memory_space<hbm>>) target(%dma_start3A_673 : memref<144xi32, #tpu.memory_space<vmem>>) target_semaphore(%arg9 : memref<!tpu.dma_semaphore, #tpu.memory_space<semaphore_mem>>)
      %dma_wait3A_676 = arith.constant 0 : i32
      %dma_wait3A_677 = arith.constant 0 : i32
      %dma_wait3A_678 = arith.constant 0 : i32
      %dma_wait3A_679 = arith.constant 0 : i32
      %dma_wait3A_680 = arith.constant 0 : i32
      %dma_wait3A_681 = tpu.memref_slice %arg6[%dma_wait3A_678, %dma_wait3A_679, %dma_wait3A_680] : memref<3x144x64xf32, #tpu.memory_space<vmem>> -> memref<1x144x64xf32, #tpu.memory_space<vmem>>
      %dma_wait3A_682 = tpu.memref_squeeze %dma_wait3A_681 : memref<1x144x64xf32, #tpu.memory_space<vmem>> -> memref<144x64xf32, #tpu.memory_space<vmem>>
      %dma_wait3A_683 = arith.constant 0 : i32
      %dma_wait3A_684 = tpu.memref_slice %arg5[%dma_wait3A_676, %dma_wait3A_677, %dma_wait3A_683] : memref<4x2x144xi32, #tpu.memory_space<vmem>> -> memref<1x1x144xi32, #tpu.memory_space<vmem>>
      %dma_wait3A_685 = tpu.memref_squeeze %dma_wait3A_684 : memref<1x1x144xi32, #tpu.memory_space<vmem>> -> memref<144xi32, #tpu.memory_space<vmem>>
      %dma_wait3A_686 = arith.constant 0 : i32
      %dma_wait3A_687 = arith.constant 0 : i32
      %dma_wait3A_688 = tpu.memref_slice %arg7[%dma_wait3A_686, %dma_wait3A_687] : memref<10000x64xf32, #tpu.memory_space<vmem_shared>> -> memref<10000x64xf32, #tpu.memory_space<vmem_shared>>
      tpu.wait_indirect_dma semaphore(%arg11 : memref<!tpu.dma_semaphore, #tpu.memory_space<semaphore_mem>>) src(%dma_wait3A_688 : memref<10000x64xf32, #tpu.memory_space<vmem_shared>>) dst(%dma_wait3A_682 : memref<144x64xf32, #tpu.memory_space<vmem>>)
      %rem3A_689 = arith.constant 4 : i32
      %rem3A_690 = arith.remsi %mul3A_577, %rem3A_689 : i32
      %rem3A_691 = arith.constant 3 : i32
      %rem3A_692 = arith.remsi %mul3A_577, %rem3A_691 : i32
      %dma_start3A_693 = arith.constant 1 : i32
      %dma_start3A_694 = arith.constant 0 : i32
      %dma_start3A_695 = arith.constant 0 : i32
      %dma_start3A_696 = tpu.memref_slice %arg6[%rem3A_692, %dma_start3A_694, %dma_start3A_695] : memref<3x144x64xf32, #tpu.memory_space<vmem>> -> memref<1x144x64xf32, #tpu.memory_space<vmem>>
      %dma_start3A_697 = tpu.memref_squeeze %dma_start3A_696 : memref<1x144x64xf32, #tpu.memory_space<vmem>> -> memref<144x64xf32, #tpu.memory_space<vmem>>
      %dma_start3A_698 = arith.constant 0 : i32
      %dma_start3A_699 = tpu.memref_slice %arg5[%rem3A_690, %dma_start3A_693, %dma_start3A_698] : memref<4x2x144xi32, #tpu.memory_space<vmem>> -> memref<1x1x144xi32, #tpu.memory_space<vmem>>
      %dma_start3A_700 = tpu.memref_squeeze %dma_start3A_699 : memref<1x1x144xi32, #tpu.memory_space<vmem>> -> memref<144xi32, #tpu.memory_space<vmem>>
      %dma_start3A_701 = arith.constant 0 : i32
      %dma_start3A_702 = arith.constant 0 : i32
      %dma_start3A_703 = tpu.memref_slice %arg8[%dma_start3A_701, %dma_start3A_702] : memref<10008x64xf32, #tpu.memory_space<vmem_shared>> -> memref<10008x64xf32, #tpu.memory_space<vmem_shared>>
      tpu.enqueue_indirect_dma source(%dma_start3A_697 : memref<144x64xf32, #tpu.memory_space<vmem>>) target(%dma_start3A_703 : memref<10008x64xf32, #tpu.memory_space<vmem_shared>>) offsets(%dma_start3A_700 : memref<144xi32, #tpu.memory_space<vmem>>) semaphore(%arg13 : memref<!tpu.dma_semaphore, #tpu.memory_space<semaphore_mem>>) {add = true}
      %add3A_704 = arith.constant 1 : i32
      %add3A_705 = arith.addi %mul3A_577, %add3A_704 : i32
      %dma_wait3A_706 = arith.constant 0 : i32
      %dma_wait3A_707 = arith.constant 0 : i32
      %dma_wait3A_708 = arith.constant 1 : i32
      %dma_wait3A_709 = arith.constant 0 : i32
      %dma_wait3A_710 = arith.constant 0 : i32
      %dma_wait3A_711 = tpu.memref_slice %arg6[%dma_wait3A_706, %dma_wait3A_709, %dma_wait3A_710] : memref<3x144x64xf32, #tpu.memory_space<vmem>> -> memref<1x144x64xf32, #tpu.memory_space<vmem>>
      %dma_wait3A_712 = tpu.memref_squeeze %dma_wait3A_711 : memref<1x144x64xf32, #tpu.memory_space<vmem>> -> memref<144x64xf32, #tpu.memory_space<vmem>>
      %dma_wait3A_713 = arith.constant 0 : i32
      %dma_wait3A_714 = tpu.memref_slice %arg5[%dma_wait3A_707, %dma_wait3A_708, %dma_wait3A_713] : memref<4x2x144xi32, #tpu.memory_space<vmem>> -> memref<1x1x144xi32, #tpu.memory_space<vmem>>
      %dma_wait3A_715 = tpu.memref_squeeze %dma_wait3A_714 : memref<1x1x144xi32, #tpu.memory_space<vmem>> -> memref<144xi32, #tpu.memory_space<vmem>>
      %dma_wait3A_716 = arith.constant 0 : i32
      %dma_wait3A_717 = arith.constant 0 : i32
      %dma_wait3A_718 = tpu.memref_slice %arg8[%dma_wait3A_716, %dma_wait3A_717] : memref<10008x64xf32, #tpu.memory_space<vmem_shared>> -> memref<10008x64xf32, #tpu.memory_space<vmem_shared>>
      tpu.wait_indirect_dma semaphore(%arg14 : memref<!tpu.dma_semaphore, #tpu.memory_space<semaphore_mem>>) src(%dma_wait3A_712 : memref<144x64xf32, #tpu.memory_space<vmem>>) dst(%dma_wait3A_718 : memref<10008x64xf32, #tpu.memory_space<vmem_shared>>)
      %dma_wait3A_719 = arith.constant 0 : i32
      %dma_wait3A_720 = arith.constant 0 : i32
      %dma_wait3A_721 = arith.constant 0 : i32
      %dma_wait3A_722 = arith.constant 0 : i32
      %dma_wait3A_723 = tpu.memref_slice %arg5[%dma_wait3A_720, %dma_wait3A_721, %dma_wait3A_722] : memref<4x2x144xi32, #tpu.memory_space<vmem>> -> memref<1x1x144xi32, #tpu.memory_space<vmem>>
      %dma_wait3A_724 = tpu.memref_squeeze %dma_wait3A_723 : memref<1x1x144xi32, #tpu.memory_space<vmem>> -> memref<144xi32, #tpu.memory_space<vmem>>
      %dma_wait3A_725 = arith.constant 0 : i32
      %dma_wait3A_726 = tpu.memref_slice %arg3[%dma_wait3A_719, %dma_wait3A_725] : memref<2x320000xi32, #tpu.memory_space<hbm>> -> memref<1x144xi32, #tpu.memory_space<hbm>>
      %dma_wait3A_727 = tpu.memref_squeeze %dma_wait3A_726 : memref<1x144xi32, #tpu.memory_space<hbm>> -> memref<144xi32, #tpu.memory_space<hbm>>
      %dma_wait3A_728 = arith.constant 0 : i32
      %dma_wait3A_729 = tpu.memref_slice %arg5[%dma_wait3A_720, %dma_wait3A_721, %dma_wait3A_728] : memref<4x2x144xi32, #tpu.memory_space<vmem>> -> memref<1x1x144xi32, #tpu.memory_space<vmem>>
      %dma_wait3A_730 = tpu.memref_squeeze %dma_wait3A_729 : memref<1x1x144xi32, #tpu.memory_space<vmem>> -> memref<144xi32, #tpu.memory_space<vmem>>
      %dma_wait3A_731 = arith.constant 0 : i32
      %dma_wait3A_732 = tpu.memref_slice %arg3[%dma_wait3A_719, %dma_wait3A_731] : memref<2x320000xi32, #tpu.memory_space<hbm>> -> memref<1x144xi32, #tpu.memory_space<hbm>>
      %dma_wait3A_733 = tpu.memref_squeeze %dma_wait3A_732 : memref<1x144xi32, #tpu.memory_space<hbm>> -> memref<144xi32, #tpu.memory_space<hbm>>
      tpu.wait_dma2 semaphore(%arg9 : memref<!tpu.dma_semaphore, #tpu.memory_space<semaphore_mem>>) src(%dma_wait3A_733 : memref<144xi32, #tpu.memory_space<hbm>>) dst(%dma_wait3A_730 : memref<144xi32, #tpu.memory_space<vmem>>)
      %dma_wait3A_734 = arith.constant 1 : i32
      %dma_wait3A_735 = arith.constant 0 : i32
      %dma_wait3A_736 = arith.constant 1 : i32
      %dma_wait3A_737 = arith.constant 0 : i32
      %dma_wait3A_738 = tpu.memref_slice %arg5[%dma_wait3A_735, %dma_wait3A_736, %dma_wait3A_737] : memref<4x2x144xi32, #tpu.memory_space<vmem>> -> memref<1x1x144xi32, #tpu.memory_space<vmem>>
      %dma_wait3A_739 = tpu.memref_squeeze %dma_wait3A_738 : memref<1x1x144xi32, #tpu.memory_space<vmem>> -> memref<144xi32, #tpu.memory_space<vmem>>
      %dma_wait3A_740 = arith.constant 0 : i32
      %dma_wait3A_741 = tpu.memref_slice %arg3[%dma_wait3A_734, %dma_wait3A_740] : memref<2x320000xi32, #tpu.memory_space<hbm>> -> memref<1x144xi32, #tpu.memory_space<hbm>>
      %dma_wait3A_742 = tpu.memref_squeeze %dma_wait3A_741 : memref<1x144xi32, #tpu.memory_space<hbm>> -> memref<144xi32, #tpu.memory_space<hbm>>
      %dma_wait3A_743 = arith.constant 0 : i32
      %dma_wait3A_744 = tpu.memref_slice %arg5[%dma_wait3A_735, %dma_wait3A_736, %dma_wait3A_743] : memref<4x2x144xi32, #tpu.memory_space<vmem>> -> memref<1x1x144xi32, #tpu.memory_space<vmem>>
      %dma_wait3A_745 = tpu.memref_squeeze %dma_wait3A_744 : memref<1x1x144xi32, #tpu.memory_space<vmem>> -> memref<144xi32, #tpu.memory_space<vmem>>
      %dma_wait3A_746 = arith.constant 0 : i32
      %dma_wait3A_747 = tpu.memref_slice %arg3[%dma_wait3A_734, %dma_wait3A_746] : memref<2x320000xi32, #tpu.memory_space<hbm>> -> memref<1x144xi32, #tpu.memory_space<hbm>>
      %dma_wait3A_748 = tpu.memref_squeeze %dma_wait3A_747 : memref<1x144xi32, #tpu.memory_space<hbm>> -> memref<144xi32, #tpu.memory_space<hbm>>
      tpu.wait_dma2 semaphore(%arg9 : memref<!tpu.dma_semaphore, #tpu.memory_space<semaphore_mem>>) src(%dma_wait3A_748 : memref<144xi32, #tpu.memory_space<hbm>>) dst(%dma_wait3A_745 : memref<144xi32, #tpu.memory_space<vmem>>)
      %add3A_749 = arith.constant 1 : i32
      %add3A_750 = arith.addi %add3A_705, %add3A_749 : i32
      %rem3A_751 = arith.constant 4 : i32
      %rem3A_752 = arith.remsi %add3A_750, %rem3A_751 : i32
      %add3A_753 = arith.constant 1 : i32
      %add3A_754 = arith.addi %add3A_705, %add3A_753 : i32
      %rem3A_755 = arith.constant 3 : i32
      %rem3A_756 = arith.remsi %add3A_754, %rem3A_755 : i32
      %dma_start3A_757 = arith.constant 0 : i32
      %dma_start3A_758 = arith.constant 0 : i32
      %dma_start3A_759 = arith.constant 0 : i32
      %dma_start3A_760 = tpu.memref_slice %arg6[%rem3A_756, %dma_start3A_758, %dma_start3A_759] : memref<3x144x64xf32, #tpu.memory_space<vmem>> -> memref<1x144x64xf32, #tpu.memory_space<vmem>>
      %dma_start3A_761 = tpu.memref_squeeze %dma_start3A_760 : memref<1x144x64xf32, #tpu.memory_space<vmem>> -> memref<144x64xf32, #tpu.memory_space<vmem>>
      %dma_start3A_762 = arith.constant 0 : i32
      %dma_start3A_763 = tpu.memref_slice %arg5[%rem3A_752, %dma_start3A_757, %dma_start3A_762] : memref<4x2x144xi32, #tpu.memory_space<vmem>> -> memref<1x1x144xi32, #tpu.memory_space<vmem>>
      %dma_start3A_764 = tpu.memref_squeeze %dma_start3A_763 : memref<1x1x144xi32, #tpu.memory_space<vmem>> -> memref<144xi32, #tpu.memory_space<vmem>>
      %dma_start3A_765 = arith.constant 0 : i32
      %dma_start3A_766 = arith.constant 0 : i32
      %dma_start3A_767 = tpu.memref_slice %arg7[%dma_start3A_765, %dma_start3A_766] : memref<10000x64xf32, #tpu.memory_space<vmem_shared>> -> memref<10000x64xf32, #tpu.memory_space<vmem_shared>>
      tpu.enqueue_indirect_dma source(%dma_start3A_767 : memref<10000x64xf32, #tpu.memory_space<vmem_shared>>) target(%dma_start3A_761 : memref<144x64xf32, #tpu.memory_space<vmem>>) offsets(%dma_start3A_764 : memref<144xi32, #tpu.memory_space<vmem>>) semaphore(%arg11 : memref<!tpu.dma_semaphore, #tpu.memory_space<semaphore_mem>>)
      %add3A_768 = arith.constant 2 : i32
      %add3A_769 = arith.addi %add3A_705, %add3A_768 : i32
      %add3A_770 = arith.constant 2 : i32
      %add3A_771 = arith.addi %add3A_705, %add3A_770 : i32
      %rem3A_772 = arith.constant 4 : i32
      %rem3A_773 = arith.remsi %add3A_771, %rem3A_772 : i32
      %mul3A_774 = arith.constant 144 : i32
      %mul3A_775 = arith.muli %add3A_769, %mul3A_774 : i32
      %add3A_776 = arith.addi %mul3A_0, %mul3A_775 : i32
      %dma_start3A_777 = arith.constant 0 : i32
      %dma_start3A_778 = arith.constant 0 : i32
      %dma_start3A_779 = arith.constant 0 : i32
      %dma_start3A_780 = tpu.memref_slice %arg5[%rem3A_773, %dma_start3A_778, %dma_start3A_779] : memref<4x2x144xi32, #tpu.memory_space<vmem>> -> memref<1x1x144xi32, #tpu.memory_space<vmem>>
      %dma_start3A_781 = tpu.memref_squeeze %dma_start3A_780 : memref<1x1x144xi32, #tpu.memory_space<vmem>> -> memref<144xi32, #tpu.memory_space<vmem>>
      %dma_start3A_782 = tpu.memref_slice %arg3[%dma_start3A_777, %add3A_776] : memref<2x320000xi32, #tpu.memory_space<hbm>> -> memref<1x144xi32, #tpu.memory_space<hbm>>
      %dma_start3A_783 = tpu.memref_squeeze %dma_start3A_782 : memref<1x144xi32, #tpu.memory_space<hbm>> -> memref<144xi32, #tpu.memory_space<hbm>>
      %dma_start3A_784 = arith.constant 0 : i32
      %dma_start3A_785 = tpu.memref_slice %arg5[%rem3A_773, %dma_start3A_778, %dma_start3A_784] : memref<4x2x144xi32, #tpu.memory_space<vmem>> -> memref<1x1x144xi32, #tpu.memory_space<vmem>>
      %dma_start3A_786 = tpu.memref_squeeze %dma_start3A_785 : memref<1x1x144xi32, #tpu.memory_space<vmem>> -> memref<144xi32, #tpu.memory_space<vmem>>
      %dma_start3A_787 = tpu.memref_slice %arg3[%dma_start3A_777, %add3A_776] : memref<2x320000xi32, #tpu.memory_space<hbm>> -> memref<1x144xi32, #tpu.memory_space<hbm>>
      %dma_start3A_788 = tpu.memref_squeeze %dma_start3A_787 : memref<1x144xi32, #tpu.memory_space<hbm>> -> memref<144xi32, #tpu.memory_space<hbm>>
      tpu.enqueue_dma source(%dma_start3A_788 : memref<144xi32, #tpu.memory_space<hbm>>) target(%dma_start3A_786 : memref<144xi32, #tpu.memory_space<vmem>>) target_semaphore(%arg10 : memref<!tpu.dma_semaphore, #tpu.memory_space<semaphore_mem>>)
      %mul3A_789 = arith.constant 144 : i32
      %mul3A_790 = arith.muli %add3A_769, %mul3A_789 : i32
      %add3A_791 = arith.addi %mul3A_0, %mul3A_790 : i32
      %dma_start3A_792 = arith.constant 1 : i32
      %dma_start3A_793 = arith.constant 1 : i32
      %dma_start3A_794 = arith.constant 0 : i32
      %dma_start3A_795 = tpu.memref_slice %arg5[%rem3A_773, %dma_start3A_793, %dma_start3A_794] : memref<4x2x144xi32, #tpu.memory_space<vmem>> -> memref<1x1x144xi32, #tpu.memory_space<vmem>>
      %dma_start3A_796 = tpu.memref_squeeze %dma_start3A_795 : memref<1x1x144xi32, #tpu.memory_space<vmem>> -> memref<144xi32, #tpu.memory_space<vmem>>
      %dma_start3A_797 = tpu.memref_slice %arg3[%dma_start3A_792, %add3A_791] : memref<2x320000xi32, #tpu.memory_space<hbm>> -> memref<1x144xi32, #tpu.memory_space<hbm>>
      %dma_start3A_798 = tpu.memref_squeeze %dma_start3A_797 : memref<1x144xi32, #tpu.memory_space<hbm>> -> memref<144xi32, #tpu.memory_space<hbm>>
      %dma_start3A_799 = arith.constant 0 : i32
      %dma_start3A_800 = tpu.memref_slice %arg5[%rem3A_773, %dma_start3A_793, %dma_start3A_799] : memref<4x2x144xi32, #tpu.memory_space<vmem>> -> memref<1x1x144xi32, #tpu.memory_space<vmem>>
      %dma_start3A_801 = tpu.memref_squeeze %dma_start3A_800 : memref<1x1x144xi32, #tpu.memory_space<vmem>> -> memref<144xi32, #tpu.memory_space<vmem>>
      %dma_start3A_802 = tpu.memref_slice %arg3[%dma_start3A_792, %add3A_791] : memref<2x320000xi32, #tpu.memory_space<hbm>> -> memref<1x144xi32, #tpu.memory_space<hbm>>
      %dma_start3A_803 = tpu.memref_squeeze %dma_start3A_802 : memref<1x144xi32, #tpu.memory_space<hbm>> -> memref<144xi32, #tpu.memory_space<hbm>>
      tpu.enqueue_dma source(%dma_start3A_803 : memref<144xi32, #tpu.memory_space<hbm>>) target(%dma_start3A_801 : memref<144xi32, #tpu.memory_space<vmem>>) target_semaphore(%arg10 : memref<!tpu.dma_semaphore, #tpu.memory_space<semaphore_mem>>)
      %dma_wait3A_804 = arith.constant 0 : i32
      %dma_wait3A_805 = arith.constant 0 : i32
      %dma_wait3A_806 = arith.constant 0 : i32
      %dma_wait3A_807 = arith.constant 0 : i32
      %dma_wait3A_808 = arith.constant 0 : i32
      %dma_wait3A_809 = tpu.memref_slice %arg6[%dma_wait3A_806, %dma_wait3A_807, %dma_wait3A_808] : memref<3x144x64xf32, #tpu.memory_space<vmem>> -> memref<1x144x64xf32, #tpu.memory_space<vmem>>
      %dma_wait3A_810 = tpu.memref_squeeze %dma_wait3A_809 : memref<1x144x64xf32, #tpu.memory_space<vmem>> -> memref<144x64xf32, #tpu.memory_space<vmem>>
      %dma_wait3A_811 = arith.constant 0 : i32
      %dma_wait3A_812 = tpu.memref_slice %arg5[%dma_wait3A_804, %dma_wait3A_805, %dma_wait3A_811] : memref<4x2x144xi32, #tpu.memory_space<vmem>> -> memref<1x1x144xi32, #tpu.memory_space<vmem>>
      %dma_wait3A_813 = tpu.memref_squeeze %dma_wait3A_812 : memref<1x1x144xi32, #tpu.memory_space<vmem>> -> memref<144xi32, #tpu.memory_space<vmem>>
      %dma_wait3A_814 = arith.constant 0 : i32
      %dma_wait3A_815 = arith.constant 0 : i32
      %dma_wait3A_816 = tpu.memref_slice %arg7[%dma_wait3A_814, %dma_wait3A_815] : memref<10000x64xf32, #tpu.memory_space<vmem_shared>> -> memref<10000x64xf32, #tpu.memory_space<vmem_shared>>
      tpu.wait_indirect_dma semaphore(%arg12 : memref<!tpu.dma_semaphore, #tpu.memory_space<semaphore_mem>>) src(%dma_wait3A_816 : memref<10000x64xf32, #tpu.memory_space<vmem_shared>>) dst(%dma_wait3A_810 : memref<144x64xf32, #tpu.memory_space<vmem>>)
      %rem3A_817 = arith.constant 4 : i32
      %rem3A_818 = arith.remsi %add3A_705, %rem3A_817 : i32
      %rem3A_819 = arith.constant 3 : i32
      %rem3A_820 = arith.remsi %add3A_705, %rem3A_819 : i32
      %dma_start3A_821 = arith.constant 1 : i32
      %dma_start3A_822 = arith.constant 0 : i32
      %dma_start3A_823 = arith.constant 0 : i32
      %dma_start3A_824 = tpu.memref_slice %arg6[%rem3A_820, %dma_start3A_822, %dma_start3A_823] : memref<3x144x64xf32, #tpu.memory_space<vmem>> -> memref<1x144x64xf32, #tpu.memory_space<vmem>>
      %dma_start3A_825 = tpu.memref_squeeze %dma_start3A_824 : memref<1x144x64xf32, #tpu.memory_space<vmem>> -> memref<144x64xf32, #tpu.memory_space<vmem>>
      %dma_start3A_826 = arith.constant 0 : i32
      %dma_start3A_827 = tpu.memref_slice %arg5[%rem3A_818, %dma_start3A_821, %dma_start3A_826] : memref<4x2x144xi32, #tpu.memory_space<vmem>> -> memref<1x1x144xi32, #tpu.memory_space<vmem>>
      %dma_start3A_828 = tpu.memref_squeeze %dma_start3A_827 : memref<1x1x144xi32, #tpu.memory_space<vmem>> -> memref<144xi32, #tpu.memory_space<vmem>>
      %dma_start3A_829 = arith.constant 0 : i32
      %dma_start3A_830 = arith.constant 0 : i32
      %dma_start3A_831 = tpu.memref_slice %arg8[%dma_start3A_829, %dma_start3A_830] : memref<10008x64xf32, #tpu.memory_space<vmem_shared>> -> memref<10008x64xf32, #tpu.memory_space<vmem_shared>>
      tpu.enqueue_indirect_dma source(%dma_start3A_825 : memref<144x64xf32, #tpu.memory_space<vmem>>) target(%dma_start3A_831 : memref<10008x64xf32, #tpu.memory_space<vmem_shared>>) offsets(%dma_start3A_828 : memref<144xi32, #tpu.memory_space<vmem>>) semaphore(%arg14 : memref<!tpu.dma_semaphore, #tpu.memory_space<semaphore_mem>>) {add = true}
    }
    %scan3A_343 = arith.constant 67 : i32
    %dma_wait3A_344 = arith.constant 0 : i32
    %dma_wait3A_345 = arith.constant 0 : i32
    %dma_wait3A_346 = arith.constant 1 : i32
    %dma_wait3A_347 = arith.constant 0 : i32
    %dma_wait3A_348 = arith.constant 0 : i32
    %dma_wait3A_349 = tpu.memref_slice %arg6[%dma_wait3A_344, %dma_wait3A_347, %dma_wait3A_348] : memref<3x144x64xf32, #tpu.memory_space<vmem>> -> memref<1x144x64xf32, #tpu.memory_space<vmem>>
    %dma_wait3A_350 = tpu.memref_squeeze %dma_wait3A_349 : memref<1x144x64xf32, #tpu.memory_space<vmem>> -> memref<144x64xf32, #tpu.memory_space<vmem>>
    %dma_wait3A_351 = arith.constant 0 : i32
    %dma_wait3A_352 = tpu.memref_slice %arg5[%dma_wait3A_345, %dma_wait3A_346, %dma_wait3A_351] : memref<4x2x144xi32, #tpu.memory_space<vmem>> -> memref<1x1x144xi32, #tpu.memory_space<vmem>>
    %dma_wait3A_353 = tpu.memref_squeeze %dma_wait3A_352 : memref<1x1x144xi32, #tpu.memory_space<vmem>> -> memref<144xi32, #tpu.memory_space<vmem>>
    %dma_wait3A_354 = arith.constant 0 : i32
    %dma_wait3A_355 = arith.constant 0 : i32
    %dma_wait3A_356 = tpu.memref_slice %arg8[%dma_wait3A_354, %dma_wait3A_355] : memref<10008x64xf32, #tpu.memory_space<vmem_shared>> -> memref<10008x64xf32, #tpu.memory_space<vmem_shared>>
    tpu.wait_indirect_dma semaphore(%arg13 : memref<!tpu.dma_semaphore, #tpu.memory_space<semaphore_mem>>) src(%dma_wait3A_350 : memref<144x64xf32, #tpu.memory_space<vmem>>) dst(%dma_wait3A_356 : memref<10008x64xf32, #tpu.memory_space<vmem_shared>>)
    %dma_wait3A_357 = arith.constant 0 : i32
    %dma_wait3A_358 = arith.constant 0 : i32
    %dma_wait3A_359 = arith.constant 0 : i32
    %dma_wait3A_360 = arith.constant 0 : i32
    %dma_wait3A_361 = tpu.memref_slice %arg5[%dma_wait3A_358, %dma_wait3A_359, %dma_wait3A_360] : memref<4x2x144xi32, #tpu.memory_space<vmem>> -> memref<1x1x144xi32, #tpu.memory_space<vmem>>
    %dma_wait3A_362 = tpu.memref_squeeze %dma_wait3A_361 : memref<1x1x144xi32, #tpu.memory_space<vmem>> -> memref<144xi32, #tpu.memory_space<vmem>>
    %dma_wait3A_363 = arith.constant 0 : i32
    %dma_wait3A_364 = tpu.memref_slice %arg3[%dma_wait3A_357, %dma_wait3A_363] : memref<2x320000xi32, #tpu.memory_space<hbm>> -> memref<1x144xi32, #tpu.memory_space<hbm>>
    %dma_wait3A_365 = tpu.memref_squeeze %dma_wait3A_364 : memref<1x144xi32, #tpu.memory_space<hbm>> -> memref<144xi32, #tpu.memory_space<hbm>>
    %dma_wait3A_366 = arith.constant 0 : i32
    %dma_wait3A_367 = tpu.memref_slice %arg5[%dma_wait3A_358, %dma_wait3A_359, %dma_wait3A_366] : memref<4x2x144xi32, #tpu.memory_space<vmem>> -> memref<1x1x144xi32, #tpu.memory_space<vmem>>
    %dma_wait3A_368 = tpu.memref_squeeze %dma_wait3A_367 : memref<1x1x144xi32, #tpu.memory_space<vmem>> -> memref<144xi32, #tpu.memory_space<vmem>>
    %dma_wait3A_369 = arith.constant 0 : i32
    %dma_wait3A_370 = tpu.memref_slice %arg3[%dma_wait3A_357, %dma_wait3A_369] : memref<2x320000xi32, #tpu.memory_space<hbm>> -> memref<1x144xi32, #tpu.memory_space<hbm>>
    %dma_wait3A_371 = tpu.memref_squeeze %dma_wait3A_370 : memref<1x144xi32, #tpu.memory_space<hbm>> -> memref<144xi32, #tpu.memory_space<hbm>>
    tpu.wait_dma2 semaphore(%arg10 : memref<!tpu.dma_semaphore, #tpu.memory_space<semaphore_mem>>) src(%dma_wait3A_371 : memref<144xi32, #tpu.memory_space<hbm>>) dst(%dma_wait3A_368 : memref<144xi32, #tpu.memory_space<vmem>>)
    %dma_wait3A_372 = arith.constant 1 : i32
    %dma_wait3A_373 = arith.constant 0 : i32
    %dma_wait3A_374 = arith.constant 1 : i32
    %dma_wait3A_375 = arith.constant 0 : i32
    %dma_wait3A_376 = tpu.memref_slice %arg5[%dma_wait3A_373, %dma_wait3A_374, %dma_wait3A_375] : memref<4x2x144xi32, #tpu.memory_space<vmem>> -> memref<1x1x144xi32, #tpu.memory_space<vmem>>
    %dma_wait3A_377 = tpu.memref_squeeze %dma_wait3A_376 : memref<1x1x144xi32, #tpu.memory_space<vmem>> -> memref<144xi32, #tpu.memory_space<vmem>>
    %dma_wait3A_378 = arith.constant 0 : i32
    %dma_wait3A_379 = tpu.memref_slice %arg3[%dma_wait3A_372, %dma_wait3A_378] : memref<2x320000xi32, #tpu.memory_space<hbm>> -> memref<1x144xi32, #tpu.memory_space<hbm>>
    %dma_wait3A_380 = tpu.memref_squeeze %dma_wait3A_379 : memref<1x144xi32, #tpu.memory_space<hbm>> -> memref<144xi32, #tpu.memory_space<hbm>>
    %dma_wait3A_381 = arith.constant 0 : i32
    %dma_wait3A_382 = tpu.memref_slice %arg5[%dma_wait3A_373, %dma_wait3A_374, %dma_wait3A_381] : memref<4x2x144xi32, #tpu.memory_space<vmem>> -> memref<1x1x144xi32, #tpu.memory_space<vmem>>
    %dma_wait3A_383 = tpu.memref_squeeze %dma_wait3A_382 : memref<1x1x144xi32, #tpu.memory_space<vmem>> -> memref<144xi32, #tpu.memory_space<vmem>>
    %dma_wait3A_384 = arith.constant 0 : i32
    %dma_wait3A_385 = tpu.memref_slice %arg3[%dma_wait3A_372, %dma_wait3A_384] : memref<2x320000xi32, #tpu.memory_space<hbm>> -> memref<1x144xi32, #tpu.memory_space<hbm>>
    %dma_wait3A_386 = tpu.memref_squeeze %dma_wait3A_385 : memref<1x144xi32, #tpu.memory_space<hbm>> -> memref<144xi32, #tpu.memory_space<hbm>>
    tpu.wait_dma2 semaphore(%arg10 : memref<!tpu.dma_semaphore, #tpu.memory_space<semaphore_mem>>) src(%dma_wait3A_386 : memref<144xi32, #tpu.memory_space<hbm>>) dst(%dma_wait3A_383 : memref<144xi32, #tpu.memory_space<vmem>>)
    %rem3A_387 = arith.constant 137 : i32
    %rem3A_388 = arith.constant 4 : i32
    %rem3A_389 = arith.remsi %rem3A_387, %rem3A_388 : i32
    %rem3A_390 = arith.constant 137 : i32
    %rem3A_391 = arith.constant 3 : i32
    %rem3A_392 = arith.remsi %rem3A_390, %rem3A_391 : i32
    %dma_start3A_393 = arith.constant 0 : i32
    %dma_start3A_394 = arith.constant 0 : i32
    %dma_start3A_395 = arith.constant 0 : i32
    %dma_start3A_396 = tpu.memref_slice %arg6[%rem3A_392, %dma_start3A_394, %dma_start3A_395] : memref<3x144x64xf32, #tpu.memory_space<vmem>> -> memref<1x144x64xf32, #tpu.memory_space<vmem>>
    %dma_start3A_397 = tpu.memref_squeeze %dma_start3A_396 : memref<1x144x64xf32, #tpu.memory_space<vmem>> -> memref<144x64xf32, #tpu.memory_space<vmem>>
    %dma_start3A_398 = arith.constant 0 : i32
    %dma_start3A_399 = tpu.memref_slice %arg5[%rem3A_389, %dma_start3A_393, %dma_start3A_398] : memref<4x2x144xi32, #tpu.memory_space<vmem>> -> memref<1x1x144xi32, #tpu.memory_space<vmem>>
    %dma_start3A_400 = tpu.memref_squeeze %dma_start3A_399 : memref<1x1x144xi32, #tpu.memory_space<vmem>> -> memref<144xi32, #tpu.memory_space<vmem>>
    %dma_start3A_401 = arith.constant 0 : i32
    %dma_start3A_402 = arith.constant 0 : i32
    %dma_start3A_403 = tpu.memref_slice %arg7[%dma_start3A_401, %dma_start3A_402] : memref<10000x64xf32, #tpu.memory_space<vmem_shared>> -> memref<10000x64xf32, #tpu.memory_space<vmem_shared>>
    tpu.enqueue_indirect_dma source(%dma_start3A_403 : memref<10000x64xf32, #tpu.memory_space<vmem_shared>>) target(%dma_start3A_397 : memref<144x64xf32, #tpu.memory_space<vmem>>) offsets(%dma_start3A_400 : memref<144xi32, #tpu.memory_space<vmem>>) semaphore(%arg12 : memref<!tpu.dma_semaphore, #tpu.memory_space<semaphore_mem>>)
    %dma_wait3A_404 = arith.constant 0 : i32
    %dma_wait3A_405 = arith.constant 0 : i32
    %dma_wait3A_406 = arith.constant 0 : i32
    %dma_wait3A_407 = arith.constant 0 : i32
    %dma_wait3A_408 = arith.constant 0 : i32
    %dma_wait3A_409 = tpu.memref_slice %arg6[%dma_wait3A_406, %dma_wait3A_407, %dma_wait3A_408] : memref<3x144x64xf32, #tpu.memory_space<vmem>> -> memref<1x144x64xf32, #tpu.memory_space<vmem>>
    %dma_wait3A_410 = tpu.memref_squeeze %dma_wait3A_409 : memref<1x144x64xf32, #tpu.memory_space<vmem>> -> memref<144x64xf32, #tpu.memory_space<vmem>>
    %dma_wait3A_411 = arith.constant 0 : i32
    %dma_wait3A_412 = tpu.memref_slice %arg5[%dma_wait3A_404, %dma_wait3A_405, %dma_wait3A_411] : memref<4x2x144xi32, #tpu.memory_space<vmem>> -> memref<1x1x144xi32, #tpu.memory_space<vmem>>
    %dma_wait3A_413 = tpu.memref_squeeze %dma_wait3A_412 : memref<1x1x144xi32, #tpu.memory_space<vmem>> -> memref<144xi32, #tpu.memory_space<vmem>>
    %dma_wait3A_414 = arith.constant 0 : i32
    %dma_wait3A_415 = arith.constant 0 : i32
    %dma_wait3A_416 = tpu.memref_slice %arg7[%dma_wait3A_414, %dma_wait3A_415] : memref<10000x64xf32, #tpu.memory_space<vmem_shared>> -> memref<10000x64xf32, #tpu.memory_space<vmem_shared>>
    tpu.wait_indirect_dma semaphore(%arg11 : memref<!tpu.dma_semaphore, #tpu.memory_space<semaphore_mem>>) src(%dma_wait3A_416 : memref<10000x64xf32, #tpu.memory_space<vmem_shared>>) dst(%dma_wait3A_410 : memref<144x64xf32, #tpu.memory_space<vmem>>)
    %rem3A_417 = arith.constant 136 : i32
    %rem3A_418 = arith.constant 4 : i32
    %rem3A_419 = arith.remsi %rem3A_417, %rem3A_418 : i32
    %rem3A_420 = arith.constant 136 : i32
    %rem3A_421 = arith.constant 3 : i32
    %rem3A_422 = arith.remsi %rem3A_420, %rem3A_421 : i32
    %dma_start3A_423 = arith.constant 1 : i32
    %dma_start3A_424 = arith.constant 0 : i32
    %dma_start3A_425 = arith.constant 0 : i32
    %dma_start3A_426 = tpu.memref_slice %arg6[%rem3A_422, %dma_start3A_424, %dma_start3A_425] : memref<3x144x64xf32, #tpu.memory_space<vmem>> -> memref<1x144x64xf32, #tpu.memory_space<vmem>>
    %dma_start3A_427 = tpu.memref_squeeze %dma_start3A_426 : memref<1x144x64xf32, #tpu.memory_space<vmem>> -> memref<144x64xf32, #tpu.memory_space<vmem>>
    %dma_start3A_428 = arith.constant 0 : i32
    %dma_start3A_429 = tpu.memref_slice %arg5[%rem3A_419, %dma_start3A_423, %dma_start3A_428] : memref<4x2x144xi32, #tpu.memory_space<vmem>> -> memref<1x1x144xi32, #tpu.memory_space<vmem>>
    %dma_start3A_430 = tpu.memref_squeeze %dma_start3A_429 : memref<1x1x144xi32, #tpu.memory_space<vmem>> -> memref<144xi32, #tpu.memory_space<vmem>>
    %dma_start3A_431 = arith.constant 0 : i32
    %dma_start3A_432 = arith.constant 0 : i32
    %dma_start3A_433 = tpu.memref_slice %arg8[%dma_start3A_431, %dma_start3A_432] : memref<10008x64xf32, #tpu.memory_space<vmem_shared>> -> memref<10008x64xf32, #tpu.memory_space<vmem_shared>>
    tpu.enqueue_indirect_dma source(%dma_start3A_427 : memref<144x64xf32, #tpu.memory_space<vmem>>) target(%dma_start3A_433 : memref<10008x64xf32, #tpu.memory_space<vmem_shared>>) offsets(%dma_start3A_430 : memref<144xi32, #tpu.memory_space<vmem>>) semaphore(%arg13 : memref<!tpu.dma_semaphore, #tpu.memory_space<semaphore_mem>>) {add = true}
    %dma_wait3A_434 = arith.constant 0 : i32
    %dma_wait3A_435 = arith.constant 0 : i32
    %dma_wait3A_436 = arith.constant 1 : i32
    %dma_wait3A_437 = arith.constant 0 : i32
    %dma_wait3A_438 = arith.constant 0 : i32
    %dma_wait3A_439 = tpu.memref_slice %arg6[%dma_wait3A_434, %dma_wait3A_437, %dma_wait3A_438] : memref<3x144x64xf32, #tpu.memory_space<vmem>> -> memref<1x144x64xf32, #tpu.memory_space<vmem>>
    %dma_wait3A_440 = tpu.memref_squeeze %dma_wait3A_439 : memref<1x144x64xf32, #tpu.memory_space<vmem>> -> memref<144x64xf32, #tpu.memory_space<vmem>>
    %dma_wait3A_441 = arith.constant 0 : i32
    %dma_wait3A_442 = tpu.memref_slice %arg5[%dma_wait3A_435, %dma_wait3A_436, %dma_wait3A_441] : memref<4x2x144xi32, #tpu.memory_space<vmem>> -> memref<1x1x144xi32, #tpu.memory_space<vmem>>
    %dma_wait3A_443 = tpu.memref_squeeze %dma_wait3A_442 : memref<1x1x144xi32, #tpu.memory_space<vmem>> -> memref<144xi32, #tpu.memory_space<vmem>>
    %dma_wait3A_444 = arith.constant 0 : i32
    %dma_wait3A_445 = arith.constant 0 : i32
    %dma_wait3A_446 = tpu.memref_slice %arg8[%dma_wait3A_444, %dma_wait3A_445] : memref<10008x64xf32, #tpu.memory_space<vmem_shared>> -> memref<10008x64xf32, #tpu.memory_space<vmem_shared>>
    tpu.wait_indirect_dma semaphore(%arg14 : memref<!tpu.dma_semaphore, #tpu.memory_space<semaphore_mem>>) src(%dma_wait3A_440 : memref<144x64xf32, #tpu.memory_space<vmem>>) dst(%dma_wait3A_446 : memref<10008x64xf32, #tpu.memory_space<vmem_shared>>)
    %dma_wait3A_447 = arith.constant 0 : i32
    %dma_wait3A_448 = arith.constant 0 : i32
    %dma_wait3A_449 = arith.constant 0 : i32
    %dma_wait3A_450 = arith.constant 0 : i32
    %dma_wait3A_451 = arith.constant 0 : i32
    %dma_wait3A_452 = tpu.memref_slice %arg6[%dma_wait3A_449, %dma_wait3A_450, %dma_wait3A_451] : memref<3x144x64xf32, #tpu.memory_space<vmem>> -> memref<1x144x64xf32, #tpu.memory_space<vmem>>
    %dma_wait3A_453 = tpu.memref_squeeze %dma_wait3A_452 : memref<1x144x64xf32, #tpu.memory_space<vmem>> -> memref<144x64xf32, #tpu.memory_space<vmem>>
    %dma_wait3A_454 = arith.constant 0 : i32
    %dma_wait3A_455 = tpu.memref_slice %arg5[%dma_wait3A_447, %dma_wait3A_448, %dma_wait3A_454] : memref<4x2x144xi32, #tpu.memory_space<vmem>> -> memref<1x1x144xi32, #tpu.memory_space<vmem>>
    %dma_wait3A_456 = tpu.memref_squeeze %dma_wait3A_455 : memref<1x1x144xi32, #tpu.memory_space<vmem>> -> memref<144xi32, #tpu.memory_space<vmem>>
    %dma_wait3A_457 = arith.constant 0 : i32
    %dma_wait3A_458 = arith.constant 0 : i32
    %dma_wait3A_459 = tpu.memref_slice %arg7[%dma_wait3A_457, %dma_wait3A_458] : memref<10000x64xf32, #tpu.memory_space<vmem_shared>> -> memref<10000x64xf32, #tpu.memory_space<vmem_shared>>
    tpu.wait_indirect_dma semaphore(%arg12 : memref<!tpu.dma_semaphore, #tpu.memory_space<semaphore_mem>>) src(%dma_wait3A_459 : memref<10000x64xf32, #tpu.memory_space<vmem_shared>>) dst(%dma_wait3A_453 : memref<144x64xf32, #tpu.memory_space<vmem>>)
    %rem3A_460 = arith.constant 137 : i32
    %rem3A_461 = arith.constant 4 : i32
    %rem3A_462 = arith.remsi %rem3A_460, %rem3A_461 : i32
    %rem3A_463 = arith.constant 137 : i32
    %rem3A_464 = arith.constant 3 : i32
    %rem3A_465 = arith.remsi %rem3A_463, %rem3A_464 : i32
    %dma_start3A_466 = arith.constant 1 : i32
    %dma_start3A_467 = arith.constant 0 : i32
    %dma_start3A_468 = arith.constant 0 : i32
    %dma_start3A_469 = tpu.memref_slice %arg6[%rem3A_465, %dma_start3A_467, %dma_start3A_468] : memref<3x144x64xf32, #tpu.memory_space<vmem>> -> memref<1x144x64xf32, #tpu.memory_space<vmem>>
    %dma_start3A_470 = tpu.memref_squeeze %dma_start3A_469 : memref<1x144x64xf32, #tpu.memory_space<vmem>> -> memref<144x64xf32, #tpu.memory_space<vmem>>
    %dma_start3A_471 = arith.constant 0 : i32
    %dma_start3A_472 = tpu.memref_slice %arg5[%rem3A_462, %dma_start3A_466, %dma_start3A_471] : memref<4x2x144xi32, #tpu.memory_space<vmem>> -> memref<1x1x144xi32, #tpu.memory_space<vmem>>
    %dma_start3A_473 = tpu.memref_squeeze %dma_start3A_472 : memref<1x1x144xi32, #tpu.memory_space<vmem>> -> memref<144xi32, #tpu.memory_space<vmem>>
    %dma_start3A_474 = arith.constant 0 : i32
    %dma_start3A_475 = arith.constant 0 : i32
    %dma_start3A_476 = tpu.memref_slice %arg8[%dma_start3A_474, %dma_start3A_475] : memref<10008x64xf32, #tpu.memory_space<vmem_shared>> -> memref<10008x64xf32, #tpu.memory_space<vmem_shared>>
    tpu.enqueue_indirect_dma source(%dma_start3A_470 : memref<144x64xf32, #tpu.memory_space<vmem>>) target(%dma_start3A_476 : memref<10008x64xf32, #tpu.memory_space<vmem_shared>>) offsets(%dma_start3A_473 : memref<144xi32, #tpu.memory_space<vmem>>) semaphore(%arg14 : memref<!tpu.dma_semaphore, #tpu.memory_space<semaphore_mem>>) {add = true}
    %dma_wait3A_477 = arith.constant 0 : i32
    %dma_wait3A_478 = arith.constant 0 : i32
    %dma_wait3A_479 = arith.constant 1 : i32
    %dma_wait3A_480 = arith.constant 0 : i32
    %dma_wait3A_481 = arith.constant 0 : i32
    %dma_wait3A_482 = tpu.memref_slice %arg6[%dma_wait3A_477, %dma_wait3A_480, %dma_wait3A_481] : memref<3x144x64xf32, #tpu.memory_space<vmem>> -> memref<1x144x64xf32, #tpu.memory_space<vmem>>
    %dma_wait3A_483 = tpu.memref_squeeze %dma_wait3A_482 : memref<1x144x64xf32, #tpu.memory_space<vmem>> -> memref<144x64xf32, #tpu.memory_space<vmem>>
    %dma_wait3A_484 = arith.constant 0 : i32
    %dma_wait3A_485 = tpu.memref_slice %arg5[%dma_wait3A_478, %dma_wait3A_479, %dma_wait3A_484] : memref<4x2x144xi32, #tpu.memory_space<vmem>> -> memref<1x1x144xi32, #tpu.memory_space<vmem>>
    %dma_wait3A_486 = tpu.memref_squeeze %dma_wait3A_485 : memref<1x1x144xi32, #tpu.memory_space<vmem>> -> memref<144xi32, #tpu.memory_space<vmem>>
    %dma_wait3A_487 = arith.constant 0 : i32
    %dma_wait3A_488 = arith.constant 0 : i32
    %dma_wait3A_489 = tpu.memref_slice %arg8[%dma_wait3A_487, %dma_wait3A_488] : memref<10008x64xf32, #tpu.memory_space<vmem_shared>> -> memref<10008x64xf32, #tpu.memory_space<vmem_shared>>
    tpu.wait_indirect_dma semaphore(%arg13 : memref<!tpu.dma_semaphore, #tpu.memory_space<semaphore_mem>>) src(%dma_wait3A_483 : memref<144x64xf32, #tpu.memory_space<vmem>>) dst(%dma_wait3A_489 : memref<10008x64xf32, #tpu.memory_space<vmem_shared>>)
    %dma_wait3A_490 = arith.constant 0 : i32
    %dma_wait3A_491 = arith.constant 0 : i32
    %dma_wait3A_492 = arith.constant 1 : i32
    %dma_wait3A_493 = arith.constant 0 : i32
    %dma_wait3A_494 = arith.constant 0 : i32
    %dma_wait3A_495 = tpu.memref_slice %arg6[%dma_wait3A_490, %dma_wait3A_493, %dma_wait3A_494] : memref<3x144x64xf32, #tpu.memory_space<vmem>> -> memref<1x144x64xf32, #tpu.memory_space<vmem>>
    %dma_wait3A_496 = tpu.memref_squeeze %dma_wait3A_495 : memref<1x144x64xf32, #tpu.memory_space<vmem>> -> memref<144x64xf32, #tpu.memory_space<vmem>>
    %dma_wait3A_497 = arith.constant 0 : i32
    %dma_wait3A_498 = tpu.memref_slice %arg5[%dma_wait3A_491, %dma_wait3A_492, %dma_wait3A_497] : memref<4x2x144xi32, #tpu.memory_space<vmem>> -> memref<1x1x144xi32, #tpu.memory_space<vmem>>
    %dma_wait3A_499 = tpu.memref_squeeze %dma_wait3A_498 : memref<1x1x144xi32, #tpu.memory_space<vmem>> -> memref<144xi32, #tpu.memory_space<vmem>>
    %dma_wait3A_500 = arith.constant 0 : i32
    %dma_wait3A_501 = arith.constant 0 : i32
    %dma_wait3A_502 = tpu.memref_slice %arg8[%dma_wait3A_500, %dma_wait3A_501] : memref<10008x64xf32, #tpu.memory_space<vmem_shared>> -> memref<10008x64xf32, #tpu.memory_space<vmem_shared>>
    tpu.wait_indirect_dma semaphore(%arg14 : memref<!tpu.dma_semaphore, #tpu.memory_space<semaphore_mem>>) src(%dma_wait3A_496 : memref<144x64xf32, #tpu.memory_space<vmem>>) dst(%dma_wait3A_502 : memref<10008x64xf32, #tpu.memory_space<vmem_shared>>)
    %add3A_503 = arith.constant 19872 : i32
    %add3A_504 = arith.addi %mul3A_0, %add3A_503 : i32
    %run_scoped3A = arith.constant 0 : i32
    %run_scoped3A_505 = arith.constant 0 : i32
    %run_scoped3A_506 = arith.constant 0 : i32
    "tpu.region"() ({
      %run_scoped3A_575 = tpu.sem_alloc : memref<!tpu.dma_semaphore, #tpu.memory_space<semaphore_mem>>
      %dma_start3A_576 = arith.constant 0 : i32
      %dma_start3A_577 = tpu.memref_slice %arg5[%run_scoped3A_505, %run_scoped3A_506, %dma_start3A_576] : memref<4x2x144xi32, #tpu.memory_space<vmem>> -> memref<1x1x128xi32, #tpu.memory_space<vmem>>
      %dma_start3A_578 = tpu.memref_squeeze %dma_start3A_577 : memref<1x1x128xi32, #tpu.memory_space<vmem>> -> memref<128xi32, #tpu.memory_space<vmem>>
      %dma_start3A_579 = tpu.memref_slice %arg3[%run_scoped3A, %add3A_504] : memref<2x320000xi32, #tpu.memory_space<hbm>> -> memref<1x128xi32, #tpu.memory_space<hbm>>
      %dma_start3A_580 = tpu.memref_squeeze %dma_start3A_579 : memref<1x128xi32, #tpu.memory_space<hbm>> -> memref<128xi32, #tpu.memory_space<hbm>>
      %dma_start3A_581 = arith.constant 0 : i32
      %dma_start3A_582 = tpu.memref_slice %arg5[%run_scoped3A_505, %run_scoped3A_506, %dma_start3A_581] : memref<4x2x144xi32, #tpu.memory_space<vmem>> -> memref<1x1x128xi32, #tpu.memory_space<vmem>>
      %dma_start3A_583 = tpu.memref_squeeze %dma_start3A_582 : memref<1x1x128xi32, #tpu.memory_space<vmem>> -> memref<128xi32, #tpu.memory_space<vmem>>
      %dma_start3A_584 = tpu.memref_slice %arg3[%run_scoped3A, %add3A_504] : memref<2x320000xi32, #tpu.memory_space<hbm>> -> memref<1x128xi32, #tpu.memory_space<hbm>>
      %dma_start3A_585 = tpu.memref_squeeze %dma_start3A_584 : memref<1x128xi32, #tpu.memory_space<hbm>> -> memref<128xi32, #tpu.memory_space<hbm>>
      tpu.enqueue_dma source(%dma_start3A_585 : memref<128xi32, #tpu.memory_space<hbm>>) target(%dma_start3A_583 : memref<128xi32, #tpu.memory_space<vmem>>) target_semaphore(%run_scoped3A_575 : memref<!tpu.dma_semaphore, #tpu.memory_space<semaphore_mem>>)
      %dma_wait3A_586 = arith.constant 0 : i32
      %dma_wait3A_587 = tpu.memref_slice %arg5[%run_scoped3A_505, %run_scoped3A_506, %dma_wait3A_586] : memref<4x2x144xi32, #tpu.memory_space<vmem>> -> memref<1x1x128xi32, #tpu.memory_space<vmem>>
      %dma_wait3A_588 = tpu.memref_squeeze %dma_wait3A_587 : memref<1x1x128xi32, #tpu.memory_space<vmem>> -> memref<128xi32, #tpu.memory_space<vmem>>
      %dma_wait3A_589 = tpu.memref_slice %arg3[%run_scoped3A, %add3A_504] : memref<2x320000xi32, #tpu.memory_space<hbm>> -> memref<1x128xi32, #tpu.memory_space<hbm>>
      %dma_wait3A_590 = tpu.memref_squeeze %dma_wait3A_589 : memref<1x128xi32, #tpu.memory_space<hbm>> -> memref<128xi32, #tpu.memory_space<hbm>>
      %dma_wait3A_591 = arith.constant 0 : i32
      %dma_wait3A_592 = tpu.memref_slice %arg5[%run_scoped3A_505, %run_scoped3A_506, %dma_wait3A_591] : memref<4x2x144xi32, #tpu.memory_space<vmem>> -> memref<1x1x128xi32, #tpu.memory_space<vmem>>
      %dma_wait3A_593 = tpu.memref_squeeze %dma_wait3A_592 : memref<1x1x128xi32, #tpu.memory_space<vmem>> -> memref<128xi32, #tpu.memory_space<vmem>>
      %dma_wait3A_594 = tpu.memref_slice %arg3[%run_scoped3A, %add3A_504] : memref<2x320000xi32, #tpu.memory_space<hbm>> -> memref<1x128xi32, #tpu.memory_space<hbm>>
      %dma_wait3A_595 = tpu.memref_squeeze %dma_wait3A_594 : memref<1x128xi32, #tpu.memory_space<hbm>> -> memref<128xi32, #tpu.memory_space<hbm>>
      tpu.wait_dma2 semaphore(%run_scoped3A_575 : memref<!tpu.dma_semaphore, #tpu.memory_space<semaphore_mem>>) src(%dma_wait3A_595 : memref<128xi32, #tpu.memory_space<hbm>>) dst(%dma_wait3A_593 : memref<128xi32, #tpu.memory_space<vmem>>)
      tpu.yield
    }) : () -> ()
    %run_scoped3A_507 = arith.constant 1 : i32
    %run_scoped3A_508 = arith.constant 0 : i32
    %run_scoped3A_509 = arith.constant 1 : i32
    "tpu.region"() ({
      %run_scoped3A_575 = tpu.sem_alloc : memref<!tpu.dma_semaphore, #tpu.memory_space<semaphore_mem>>
      %dma_start3A_576 = arith.constant 0 : i32
      %dma_start3A_577 = tpu.memref_slice %arg5[%run_scoped3A_508, %run_scoped3A_509, %dma_start3A_576] : memref<4x2x144xi32, #tpu.memory_space<vmem>> -> memref<1x1x128xi32, #tpu.memory_space<vmem>>
      %dma_start3A_578 = tpu.memref_squeeze %dma_start3A_577 : memref<1x1x128xi32, #tpu.memory_space<vmem>> -> memref<128xi32, #tpu.memory_space<vmem>>
      %dma_start3A_579 = tpu.memref_slice %arg3[%run_scoped3A_507, %add3A_504] : memref<2x320000xi32, #tpu.memory_space<hbm>> -> memref<1x128xi32, #tpu.memory_space<hbm>>
      %dma_start3A_580 = tpu.memref_squeeze %dma_start3A_579 : memref<1x128xi32, #tpu.memory_space<hbm>> -> memref<128xi32, #tpu.memory_space<hbm>>
      %dma_start3A_581 = arith.constant 0 : i32
      %dma_start3A_582 = tpu.memref_slice %arg5[%run_scoped3A_508, %run_scoped3A_509, %dma_start3A_581] : memref<4x2x144xi32, #tpu.memory_space<vmem>> -> memref<1x1x128xi32, #tpu.memory_space<vmem>>
      %dma_start3A_583 = tpu.memref_squeeze %dma_start3A_582 : memref<1x1x128xi32, #tpu.memory_space<vmem>> -> memref<128xi32, #tpu.memory_space<vmem>>
      %dma_start3A_584 = tpu.memref_slice %arg3[%run_scoped3A_507, %add3A_504] : memref<2x320000xi32, #tpu.memory_space<hbm>> -> memref<1x128xi32, #tpu.memory_space<hbm>>
      %dma_start3A_585 = tpu.memref_squeeze %dma_start3A_584 : memref<1x128xi32, #tpu.memory_space<hbm>> -> memref<128xi32, #tpu.memory_space<hbm>>
      tpu.enqueue_dma source(%dma_start3A_585 : memref<128xi32, #tpu.memory_space<hbm>>) target(%dma_start3A_583 : memref<128xi32, #tpu.memory_space<vmem>>) target_semaphore(%run_scoped3A_575 : memref<!tpu.dma_semaphore, #tpu.memory_space<semaphore_mem>>)
      %dma_wait3A_586 = arith.constant 0 : i32
      %dma_wait3A_587 = tpu.memref_slice %arg5[%run_scoped3A_508, %run_scoped3A_509, %dma_wait3A_586] : memref<4x2x144xi32, #tpu.memory_space<vmem>> -> memref<1x1x128xi32, #tpu.memory_space<vmem>>
      %dma_wait3A_588 = tpu.memref_squeeze %dma_wait3A_587 : memref<1x1x128xi32, #tpu.memory_space<vmem>> -> memref<128xi32, #tpu.memory_space<vmem>>
      %dma_wait3A_589 = tpu.memref_slice %arg3[%run_scoped3A_507, %add3A_504] : memref<2x320000xi32, #tpu.memory_space<hbm>> -> memref<1x128xi32, #tpu.memory_space<hbm>>
      %dma_wait3A_590 = tpu.memref_squeeze %dma_wait3A_589 : memref<1x128xi32, #tpu.memory_space<hbm>> -> memref<128xi32, #tpu.memory_space<hbm>>
      %dma_wait3A_591 = arith.constant 0 : i32
      %dma_wait3A_592 = tpu.memref_slice %arg5[%run_scoped3A_508, %run_scoped3A_509, %dma_wait3A_591] : memref<4x2x144xi32, #tpu.memory_space<vmem>> -> memref<1x1x128xi32, #tpu.memory_space<vmem>>
      %dma_wait3A_593 = tpu.memref_squeeze %dma_wait3A_592 : memref<1x1x128xi32, #tpu.memory_space<vmem>> -> memref<128xi32, #tpu.memory_space<vmem>>
      %dma_wait3A_594 = tpu.memref_slice %arg3[%run_scoped3A_507, %add3A_504] : memref<2x320000xi32, #tpu.memory_space<hbm>> -> memref<1x128xi32, #tpu.memory_space<hbm>>
      %dma_wait3A_595 = tpu.memref_squeeze %dma_wait3A_594 : memref<1x128xi32, #tpu.memory_space<hbm>> -> memref<128xi32, #tpu.memory_space<hbm>>
      tpu.wait_dma2 semaphore(%run_scoped3A_575 : memref<!tpu.dma_semaphore, #tpu.memory_space<semaphore_mem>>) src(%dma_wait3A_595 : memref<128xi32, #tpu.memory_space<hbm>>) dst(%dma_wait3A_593 : memref<128xi32, #tpu.memory_space<vmem>>)
      tpu.yield
    }) : () -> ()
    %broadcast_in_dim3A_510 = arith.constant 0 : i32
    %broadcast_in_dim3A_511 = vector.broadcast %broadcast_in_dim3A_510 : i32 to vector<16xi32>
    %swap3A = arith.constant 0 : i32
    %swap3A_512 = arith.constant 0 : i32
    %swap3A_513 = arith.index_cast %swap3A : i32 to index
    %swap3A_514 = arith.index_cast %swap3A_512 : i32 to index
    %swap3A_515 = arith.constant 128 : index
    %swap3A_516 = tpu.vector_load %arg5[%swap3A_513, %swap3A_514, %swap3A_515] {strides = array<i32>} : memref<4x2x144xi32, #tpu.memory_space<vmem>>, vector<1x1x16xi32>,
    %swap3A_517 = vector.shape_cast %swap3A_516 : vector<1x1x16xi32> to vector<16xi32>
    %swap3A_518 = vector.shape_cast %broadcast_in_dim3A_511 : vector<16xi32> to vector<1x1x16xi32>
    tpu.vector_store %arg5[%swap3A_513, %swap3A_514, %swap3A_515], %swap3A_518 {strides = array<i32>} : memref<4x2x144xi32, #tpu.memory_space<vmem>>, vector<1x1x16xi32>,
    %broadcast_in_dim3A_519 = arith.constant 10000 : i32
    %broadcast_in_dim3A_520 = vector.broadcast %broadcast_in_dim3A_519 : i32 to vector<16xi32>
    %swap3A_521 = arith.constant 0 : i32
    %swap3A_522 = arith.constant 1 : i32
    %swap3A_523 = arith.index_cast %swap3A_521 : i32 to index
    %swap3A_524 = arith.index_cast %swap3A_522 : i32 to index
    %swap3A_525 = arith.constant 128 : index
    %swap3A_526 = tpu.vector_load %arg5[%swap3A_523, %swap3A_524, %swap3A_525] {strides = array<i32>} : memref<4x2x144xi32, #tpu.memory_space<vmem>>, vector<1x1x16xi32>,
    %swap3A_527 = vector.shape_cast %swap3A_526 : vector<1x1x16xi32> to vector<16xi32>
    %swap3A_528 = vector.shape_cast %broadcast_in_dim3A_520 : vector<16xi32> to vector<1x1x16xi32>
    tpu.vector_store %arg5[%swap3A_523, %swap3A_524, %swap3A_525], %swap3A_528 {strides = array<i32>} : memref<4x2x144xi32, #tpu.memory_space<vmem>>, vector<1x1x16xi32>,
    %dma_start3A_529 = arith.constant 0 : i32
    %dma_start3A_530 = arith.constant 0 : i32
    %dma_start3A_531 = arith.constant 0 : i32
    %dma_start3A_532 = arith.constant 0 : i32
    %dma_start3A_533 = arith.constant 0 : i32
    %dma_start3A_534 = tpu.memref_slice %arg6[%dma_start3A_531, %dma_start3A_532, %dma_start3A_533] : memref<3x144x64xf32, #tpu.memory_space<vmem>> -> memref<1x144x64xf32, #tpu.memory_space<vmem>>
    %dma_start3A_535 = tpu.memref_squeeze %dma_start3A_534 : memref<1x144x64xf32, #tpu.memory_space<vmem>> -> memref<144x64xf32, #tpu.memory_space<vmem>>
    %dma_start3A_536 = arith.constant 0 : i32
    %dma_start3A_537 = tpu.memref_slice %arg5[%dma_start3A_529, %dma_start3A_530, %dma_start3A_536] : memref<4x2x144xi32, #tpu.memory_space<vmem>> -> memref<1x1x144xi32, #tpu.memory_space<vmem>>
    %dma_start3A_538 = tpu.memref_squeeze %dma_start3A_537 : memref<1x1x144xi32, #tpu.memory_space<vmem>> -> memref<144xi32, #tpu.memory_space<vmem>>
    %dma_start3A_539 = arith.constant 0 : i32
    %dma_start3A_540 = arith.constant 0 : i32
    %dma_start3A_541 = tpu.memref_slice %arg7[%dma_start3A_539, %dma_start3A_540] : memref<10000x64xf32, #tpu.memory_space<vmem_shared>> -> memref<10000x64xf32, #tpu.memory_space<vmem_shared>>
    tpu.enqueue_indirect_dma source(%dma_start3A_541 : memref<10000x64xf32, #tpu.memory_space<vmem_shared>>) target(%dma_start3A_535 : memref<144x64xf32, #tpu.memory_space<vmem>>) offsets(%dma_start3A_538 : memref<144xi32, #tpu.memory_space<vmem>>) semaphore(%arg11 : memref<!tpu.dma_semaphore, #tpu.memory_space<semaphore_mem>>)
    %dma_wait3A_542 = arith.constant 0 : i32
    %dma_wait3A_543 = arith.constant 0 : i32
    %dma_wait3A_544 = arith.constant 0 : i32
    %dma_wait3A_545 = arith.constant 0 : i32
    %dma_wait3A_546 = arith.constant 0 : i32
    %dma_wait3A_547 = tpu.memref_slice %arg6[%dma_wait3A_544, %dma_wait3A_545, %dma_wait3A_546] : memref<3x144x64xf32, #tpu.memory_space<vmem>> -> memref<1x144x64xf32, #tpu.memory_space<vmem>>
    %dma_wait3A_548 = tpu.memref_squeeze %dma_wait3A_547 : memref<1x144x64xf32, #tpu.memory_space<vmem>> -> memref<144x64xf32, #tpu.memory_space<vmem>>
    %dma_wait3A_549 = arith.constant 0 : i32
    %dma_wait3A_550 = tpu.memref_slice %arg5[%dma_wait3A_542, %dma_wait3A_543, %dma_wait3A_549] : memref<4x2x144xi32, #tpu.memory_space<vmem>> -> memref<1x1x144xi32, #tpu.memory_space<vmem>>
    %dma_wait3A_551 = tpu.memref_squeeze %dma_wait3A_550 : memref<1x1x144xi32, #tpu.memory_space<vmem>> -> memref<144xi32, #tpu.memory_space<vmem>>
    %dma_wait3A_552 = arith.constant 0 : i32
    %dma_wait3A_553 = arith.constant 0 : i32
    %dma_wait3A_554 = tpu.memref_slice %arg7[%dma_wait3A_552, %dma_wait3A_553] : memref<10000x64xf32, #tpu.memory_space<vmem_shared>> -> memref<10000x64xf32, #tpu.memory_space<vmem_shared>>
    tpu.wait_indirect_dma semaphore(%arg11 : memref<!tpu.dma_semaphore, #tpu.memory_space<semaphore_mem>>) src(%dma_wait3A_554 : memref<10000x64xf32, #tpu.memory_space<vmem_shared>>) dst(%dma_wait3A_548 : memref<144x64xf32, #tpu.memory_space<vmem>>)
    %run_scoped3A_555 = arith.constant 0 : i32
    %run_scoped3A_556 = arith.constant 0 : i32
    %run_scoped3A_557 = arith.constant 1 : i32
    "tpu.region"() ({
      %run_scoped3A_575 = tpu.sem_alloc : memref<!tpu.dma_semaphore, #tpu.memory_space<semaphore_mem>>
      %dma_start3A_576 = arith.constant 0 : i32
      %dma_start3A_577 = arith.constant 0 : i32
      %dma_start3A_578 = tpu.memref_slice %arg6[%run_scoped3A_555, %dma_start3A_576, %dma_start3A_577] : memref<3x144x64xf32, #tpu.memory_space<vmem>> -> memref<1x144x64xf32, #tpu.memory_space<vmem>>
      %dma_start3A_579 = tpu.memref_squeeze %dma_start3A_578 : memref<1x144x64xf32, #tpu.memory_space<vmem>> -> memref<144x64xf32, #tpu.memory_space<vmem>>
      %dma_start3A_580 = arith.constant 0 : i32
      %dma_start3A_581 = tpu.memref_slice %arg5[%run_scoped3A_556, %run_scoped3A_557, %dma_start3A_580] : memref<4x2x144xi32, #tpu.memory_space<vmem>> -> memref<1x1x144xi32, #tpu.memory_space<vmem>>
      %dma_start3A_582 = tpu.memref_squeeze %dma_start3A_581 : memref<1x1x144xi32, #tpu.memory_space<vmem>> -> memref<144xi32, #tpu.memory_space<vmem>>
      %dma_start3A_583 = arith.constant 0 : i32
      %dma_start3A_584 = arith.constant 0 : i32
      %dma_start3A_585 = tpu.memref_slice %arg8[%dma_start3A_583, %dma_start3A_584] : memref<10008x64xf32, #tpu.memory_space<vmem_shared>> -> memref<10008x64xf32, #tpu.memory_space<vmem_shared>>
      tpu.enqueue_indirect_dma source(%dma_start3A_579 : memref<144x64xf32, #tpu.memory_space<vmem>>) target(%dma_start3A_585 : memref<10008x64xf32, #tpu.memory_space<vmem_shared>>) offsets(%dma_start3A_582 : memref<144xi32, #tpu.memory_space<vmem>>) semaphore(%run_scoped3A_575 : memref<!tpu.dma_semaphore, #tpu.memory_space<semaphore_mem>>) {add = true}
      %dma_wait3A_586 = arith.constant 0 : i32
      %dma_wait3A_587 = arith.constant 0 : i32
      %dma_wait3A_588 = tpu.memref_slice %arg6[%run_scoped3A_555, %dma_wait3A_586, %dma_wait3A_587] : memref<3x144x64xf32, #tpu.memory_space<vmem>> -> memref<1x144x64xf32, #tpu.memory_space<vmem>>
      %dma_wait3A_589 = tpu.memref_squeeze %dma_wait3A_588 : memref<1x144x64xf32, #tpu.memory_space<vmem>> -> memref<144x64xf32, #tpu.memory_space<vmem>>
      %dma_wait3A_590 = arith.constant 0 : i32
      %dma_wait3A_591 = tpu.memref_slice %arg5[%run_scoped3A_556, %run_scoped3A_557, %dma_wait3A_590] : memref<4x2x144xi32, #tpu.memory_space<vmem>> -> memref<1x1x144xi32, #tpu.memory_space<vmem>>
      %dma_wait3A_592 = tpu.memref_squeeze %dma_wait3A_591 : memref<1x1x144xi32, #tpu.memory_space<vmem>> -> memref<144xi32, #tpu.memory_space<vmem>>
      %dma_wait3A_593 = arith.constant 0 : i32
      %dma_wait3A_594 = arith.constant 0 : i32
      %dma_wait3A_595 = tpu.memref_slice %arg8[%dma_wait3A_593, %dma_wait3A_594] : memref<10008x64xf32, #tpu.memory_space<vmem_shared>> -> memref<10008x64xf32, #tpu.memory_space<vmem_shared>>
      tpu.wait_indirect_dma semaphore(%run_scoped3A_575 : memref<!tpu.dma_semaphore, #tpu.memory_space<semaphore_mem>>) src(%dma_wait3A_589 : memref<144x64xf32, #tpu.memory_space<vmem>>) dst(%dma_wait3A_595 : memref<10008x64xf32, #tpu.memory_space<vmem_shared>>)
      tpu.yield
    }) : () -> ()
    %barrier3A_558 = arith.constant 0 : index
    tpu.barrier barrier_id(%barrier3A_558)
    %mul3A_559 = arith.constant 10000 : i32
    %mul3A_560 = arith.muli %arg0, %mul3A_559 : i32
    %mul3A_561 = arith.constant 632 : i32
    %mul3A_562 = arith.muli %arg1, %mul3A_561 : i32
    %add3A_563 = arith.addi %mul3A_560, %mul3A_562 : i32
    %multiple_of3A_564 = tpu.assume_multiple %add3A_563, 8 : i32
    %lt3A_565 = arith.constant 15 : i32
    %lt3A_566 = arith.cmpi slt, %arg1, %lt3A_565 : i32
    %convert_element_type3A_567 = arith.extui %lt3A_566 : i1 to i32
    %cond3A_568 = arith.constant 0 : i32
    %cond3A_569 = arith.cmpi ne, %convert_element_type3A_567, %cond3A_568 : i32
    scf.if %cond3A_569 {
      "tpu.region"() ({
        %run_scoped3A_575 = tpu.sem_alloc : memref<!tpu.dma_semaphore, #tpu.memory_space<semaphore_mem>>
        %dma_start3A_576 = arith.constant 0 : i32
        %dma_start3A_577 = tpu.memref_slice %arg4[%multiple_of3A_564, %dma_start3A_576] : memref<20000x64xf32, #tpu.memory_space<hbm>> -> memref<632x64xf32, #tpu.memory_space<hbm>>
        %dma_start3A_578 = arith.constant 0 : i32
        %dma_start3A_579 = tpu.memref_slice %arg8[%multiple_of3A, %dma_start3A_578] : memref<10008x64xf32, #tpu.memory_space<vmem_shared>> -> memref<632x64xf32, #tpu.memory_space<vmem_shared>>
        tpu.enqueue_dma source(%dma_start3A_579 : memref<632x64xf32, #tpu.memory_space<vmem_shared>>) target(%dma_start3A_577 : memref<632x64xf32, #tpu.memory_space<hbm>>) target_semaphore(%run_scoped3A_575 : memref<!tpu.dma_semaphore, #tpu.memory_space<semaphore_mem>>)
        %dma_wait3A_580 = arith.constant 0 : i32
        %dma_wait3A_581 = tpu.memref_slice %arg4[%multiple_of3A_564, %dma_wait3A_580] : memref<20000x64xf32, #tpu.memory_space<hbm>> -> memref<632x64xf32, #tpu.memory_space<hbm>>
        %dma_wait3A_582 = arith.constant 0 : i32
        %dma_wait3A_583 = tpu.memref_slice %arg8[%multiple_of3A, %dma_wait3A_582] : memref<10008x64xf32, #tpu.memory_space<vmem_shared>> -> memref<632x64xf32, #tpu.memory_space<vmem_shared>>
        tpu.wait_dma2 semaphore(%run_scoped3A_575 : memref<!tpu.dma_semaphore, #tpu.memory_space<semaphore_mem>>) src(%dma_wait3A_583 : memref<632x64xf32, #tpu.memory_space<vmem_shared>>) dst(%dma_wait3A_581 : memref<632x64xf32, #tpu.memory_space<hbm>>)
        tpu.yield
      }) : () -> ()
    } else {
    }
    %eq3A_570 = arith.constant 15 : i32
    %eq3A_571 = arith.cmpi eq, %arg1, %eq3A_570 : i32
    %convert_element_type3A_572 = arith.extui %eq3A_571 : i1 to i32
    %cond3A_573 = arith.constant 0 : i32
    %cond3A_574 = arith.cmpi ne, %convert_element_type3A_572, %cond3A_573 : i32
    scf.if %cond3A_574 {
      %mul3A_575 = arith.constant 10000 : i32
      %mul3A_576 = arith.muli %arg0, %mul3A_575 : i32
      %add3A_577 = arith.constant 9480 : i32
      %add3A_578 = arith.addi %mul3A_576, %add3A_577 : i32
      "tpu.region"() ({
        %run_scoped3A_579 = tpu.sem_alloc : memref<!tpu.dma_semaphore, #tpu.memory_space<semaphore_mem>>
        %dma_start3A_580 = arith.constant 0 : i32
        %dma_start3A_581 = tpu.memref_slice %arg4[%add3A_578, %dma_start3A_580] : memref<20000x64xf32, #tpu.memory_space<hbm>> -> memref<520x64xf32, #tpu.memory_space<hbm>>
        %dma_start3A_582 = arith.constant 9480 : i32
        %dma_start3A_583 = arith.constant 0 : i32
        %dma_start3A_584 = tpu.memref_slice %arg8[%dma_start3A_582, %dma_start3A_583] : memref<10008x64xf32, #tpu.memory_space<vmem_shared>> -> memref<520x64xf32, #tpu.memory_space<vmem_shared>>
        tpu.enqueue_dma source(%dma_start3A_584 : memref<520x64xf32, #tpu.memory_space<vmem_shared>>) target(%dma_start3A_581 : memref<520x64xf32, #tpu.memory_space<hbm>>) target_semaphore(%run_scoped3A_579 : memref<!tpu.dma_semaphore, #tpu.memory_space<semaphore_mem>>)
        %dma_wait3A_585 = arith.constant 0 : i32
        %dma_wait3A_586 = tpu.memref_slice %arg4[%add3A_578, %dma_wait3A_585] : memref<20000x64xf32, #tpu.memory_space<hbm>> -> memref<520x64xf32, #tpu.memory_space<hbm>>
        %dma_wait3A_587 = arith.constant 9480 : i32
        %dma_wait3A_588 = arith.constant 0 : i32
        %dma_wait3A_589 = tpu.memref_slice %arg8[%dma_wait3A_587, %dma_wait3A_588] : memref<10008x64xf32, #tpu.memory_space<vmem_shared>> -> memref<520x64xf32, #tpu.memory_space<vmem_shared>>
        tpu.wait_dma2 semaphore(%run_scoped3A_579 : memref<!tpu.dma_semaphore, #tpu.memory_space<semaphore_mem>>) src(%dma_wait3A_589 : memref<520x64xf32, #tpu.memory_space<vmem_shared>>) dst(%dma_wait3A_586 : memref<520x64xf32, #tpu.memory_space<hbm>>)
        tpu.yield
      }) : () -> ()
    } else {
    }
    return
  }
}

module attributes {stable_mosaic.version = 14 : i64} {
  func.func @_mm_kernel(%arg0: i32, %arg1: memref<2000x64xf32, #tpu.memory_space<vmem>>, %arg2: memref<2000x64xf32, #tpu.memory_space<vmem>>, %arg3: memref<64x128xf32, #tpu.memory_space<vmem>>, %arg4: memref<64x128xf32, #tpu.memory_space<vmem>>, %arg5: memref<1x128xf32, #tpu.memory_space<vmem>>, %arg6: memref<2000x128xf32, #tpu.memory_space<vmem>>) attributes {dimension_semantics = [#tpu.dimension_semantics<arbitrary>], iteration_bounds = array<i64: 5>, scalar_prefetch = 0 : i64, scratch_operands = 0 : i64, tpu.core_type = #tpu.core_type<tc>, window_params = [{transform_indices = @transform_0, window_bounds = array<i64: 2000, 64>}, {transform_indices = @transform_1, window_bounds = array<i64: 2000, 64>}, {transform_indices = @transform_2, window_bounds = array<i64: 64, 128>}, {transform_indices = @transform_3, window_bounds = array<i64: 64, 128>}, {pipeline_mode = #tpu.pipeline_mode<synchronous>, transform_indices = @transform_4, window_bounds = array<i64: 1, 128>}, {transform_indices = @transform_5, window_bounds = array<i64: 2000, 128>}]} {
    %get3A = arith.constant 0 : index
    %get3A_0 = arith.constant 0 : index
    %get3A_1 = vector.load %arg1[%get3A, %get3A_0] : memref<2000x64xf32, #tpu.memory_space<vmem>>, vector<2000x64xf32>
    %get3A_2 = arith.constant 0 : index
    %get3A_3 = arith.constant 0 : index
    %get3A_4 = vector.load %arg3[%get3A_2, %get3A_3] : memref<64x128xf32, #tpu.memory_space<vmem>>, vector<64x128xf32>
    %dot_general3A = arith.constant dense<0.000000e+00> : vector<2000x128xf32>
    %dot_general3A_5 = tpu.matmul %get3A_1, %get3A_4, %dot_general3A {dimension_numbers = #tpu.dot_dimension_numbers<[1], [0], [0], [1], [0, 0, 1, 1], [], []>, transpose_lhs_hint = false} : vector<2000x64xf32>, vector<64x128xf32>, vector<2000x128xf32> -> vector<2000x128xf32>
    %get3A_6 = arith.constant 0 : index
    %get3A_7 = arith.constant 0 : index
    %get3A_8 = vector.load %arg2[%get3A_6, %get3A_7] : memref<2000x64xf32, #tpu.memory_space<vmem>>, vector<2000x64xf32>
    %get3A_9 = arith.constant 0 : index
    %get3A_10 = arith.constant 0 : index
    %get3A_11 = vector.load %arg4[%get3A_9, %get3A_10] : memref<64x128xf32, #tpu.memory_space<vmem>>, vector<64x128xf32>
    %dot_general3A_12 = arith.constant dense<0.000000e+00> : vector<2000x128xf32>
    %dot_general3A_13 = tpu.matmul %get3A_8, %get3A_11, %dot_general3A_12 {dimension_numbers = #tpu.dot_dimension_numbers<[1], [0], [0], [1], [0, 0, 1, 1], [], []>, transpose_lhs_hint = false} : vector<2000x64xf32>, vector<64x128xf32>, vector<2000x128xf32> -> vector<2000x128xf32>
    %add3A = arith.addf %dot_general3A_5, %dot_general3A_13 : vector<2000x128xf32>
    %get3A_14 = arith.constant 0 : index
    %get3A_15 = arith.constant 0 : index
    %get3A_16 = vector.load %arg5[%get3A_14, %get3A_15] : memref<1x128xf32, #tpu.memory_space<vmem>>, vector<1x128xf32>
    %add3A_17 = vector.broadcast %get3A_16 : vector<1x128xf32> to vector<2000x128xf32>
    %add3A_18 = arith.addf %add3A, %add3A_17 : vector<2000x128xf32>
    %max3A = arith.constant 0.000000e+00 : f32
    %max3A_19 = vector.broadcast %max3A : f32 to vector<2000x128xf32>
    %max3A_20 = arith.maximumf %add3A_18, %max3A_19 : vector<2000x128xf32>
    %swap3A = arith.constant 0 : index
    %swap3A_21 = arith.constant 0 : index
    %swap3A_22 = vector.load %arg6[%swap3A, %swap3A_21] : memref<2000x128xf32, #tpu.memory_space<vmem>>, vector<2000x128xf32>
    tpu.vector_store %arg6[%swap3A, %swap3A_21], %max3A_20 {strides = array<i32>} : memref<2000x128xf32, #tpu.memory_space<vmem>>, vector<2000x128xf32>,
    return
  }
  func.func @transform_0(%arg0: i32) -> (i32, i32) {
    %c0_i32 = arith.constant 0 : i32
    %c0_i32_0 = arith.constant 0 : i32
    return %arg0, %c0_i32 : i32, i32
  }
  func.func @transform_1(%arg0: i32) -> (i32, i32) {
    %add3A = arith.constant 5 : i32
    %add3A_0 = arith.addi %arg0, %add3A : i32
    %c0_i32 = arith.constant 0 : i32
    %c0_i32_1 = arith.constant 0 : i32
    return %add3A_0, %c0_i32 : i32, i32
  }
  func.func @transform_2(%arg0: i32) -> (i32, i32) {
    %c0_i32 = arith.constant 0 : i32
    %c0_i32_0 = arith.constant 0 : i32
    %c0_i32_1 = arith.constant 0 : i32
    return %c0_i32, %c0_i32_0 : i32, i32
  }
  func.func @transform_3(%arg0: i32) -> (i32, i32) {
    %c1_i32 = arith.constant 1 : i32
    %c0_i32 = arith.constant 0 : i32
    %c0_i32_0 = arith.constant 0 : i32
    return %c1_i32, %c0_i32 : i32, i32
  }
  func.func @transform_4(%arg0: i32) -> (i32, i32) {
    %c0_i32 = arith.constant 0 : i32
    %c0_i32_0 = arith.constant 0 : i32
    %c0_i32_1 = arith.constant 0 : i32
    return %c0_i32, %c0_i32_0 : i32, i32
  }
  func.func @transform_5(%arg0: i32) -> (i32, i32) {
    %c0_i32 = arith.constant 0 : i32
    %c0_i32_0 = arith.constant 0 : i32
    return %arg0, %c0_i32 : i32, i32
  }
}

</mosaic_0001>

<sc_bundles>
// kernel: kernel.4.cloned.1.call-start
scs
__scs_entry_jumppad:
0x0: {  	(pc) =	sbr.rel $0x88, $3  }
0x1: {  	(tag) =	ssettag $0x0;
	lr =	simm.s32 $0x1  }
0x2: {  	[smem:$0x3F9D] =	sst lr;
	_ =	strace $0xD0000000  }
0x3: {  	_ = 	snop  }
0x4: {  	_ = 	snop  }
0x5: {  	_ = 	snop  }
0x6: {  	_ = 	snop  }
0x7: {  	_ = 	snop  }
__scs_overlays_trampoline_lowered:
0x8: {  	[smem:$0x3FAC] =	sst s0  }
0x9: {  	[smem:$0x3FAD] =	sst s1  }
0xa: {  	[smem:$0x3FAE] =	sst s2  }
0xb: {  	[smem:$0x3FAF] =	sst s3  }
0xc: {  	[smem:$0x3FB0] =	sst s4  }
0xd: {  	[smem:$0x3FB1] =	sst s5  }
0xe: {  	[smem:$0x3FB2] =	sst s6  }
0xf: {  	[smem:$0x3FB3] =	sst s7  }
0x10: {  	[smem:$0x3FB4] =	sst s8  }
0x11: {  	[smem:$0x3FB5] =	sst s9;
	s0 =	simm.s32 @!p0 $0x0  }
0x12: {  	s1 =	sld [smem:$0x3F9B];
	s0 =	simm.s32 @p0 $0x1  }
0x13: {  	[smem:$0x3FB6] =	sst s0;
	s0 =	simm.s32 @!p1 $0x0  }
0x14: {  	s2 =	sld [smem:$0x3F9A];
	s0 =	simm.s32 @p1 $0x1  }
0x15: {  	[smem:$0x3FB7] =	sst s0;
	s0 =	simm.s32 @!p2 $0x0  }
0x16: {  	s3 =	sld [smem:$0x3FDB];
	s0 =	simm.s32 @p2 $0x1  }
0x17: {  	s4 =	simm.s32 $0x1BF5;
	[smem:$0x3FB9] =	sst s0  }
0x18: {  	s0 =	sld [smem:$0x3F9C];
	_ =	swait.ge [sflag:s4], $0x0  }
0x19: {  	s7 =	sld [smem:$0x3F9D]  }
0x1a: {  	s8 =	sadd.s32 $0xFFFFE003, lr  }
0x1b: {  	s9 =	sadd.s32 $0xFFFFFEF7, lr;
	s5 =	simm.s32 $0xFFFFFFFF;
	p2 =	slt.u32 s8, $0xFFFFF086  }
0x1c: {  	p1 =	slt.u32 s9, $0xF7A;
	s5 =	simm.s32 @!p2 $0x0  }
0x1d: {  	s5 =	simm.s32 @p1 $0x1;
	p0 =	seq.s32 s7, s2  }
0x1e: {  	s7 =	smul.u32 @!p0 $0xF7A, s2;
	p2 =	seq.s32 @!p0 s5, $0x0  }
0x1f: {  	s9 =	smul.u32 $0xF7A, s1;
	s8 =	simm.s32 @!p0 $0x1BF5;
	p2 =	por !p2, p0  }
0x20: {  	[sflag:s8] =	ssyncset.s32 @!p0 $0xFFFFF086;
	s6 =	sadd.s32 @!p0 s3, s7;
	s7 =	simm.s32 @!p0 $0x108  }
0x21: {  	s3 =	sadd.s32 s3, s9;
	s6 =	sadd.s32 @!p0 $0x88, s6;
	s7 =	simm.s32 @p2 $0x1082  }
0x22: {  	[simem:s7], [sflag:s8] =	dma.local @!p0 [hbm:s6], $0xF7A  }
0x23: {  	s9 =	sor.u32 $0xD0000000, s2;
	s6 =	simm.s32 $0x108;
	_ =	swait.ge @!p0 [sflag:s8], $0x0  }
0x24: {  	s3 =	sadd.s32 $0x88, s3;
	s6 =	simm.s32 @!p1 $0x1082;
	[sflag:s4] =	ssyncset.s32 $0xFFFFF086  }
0x25: {  	[simem:s6], [sflag:s4] =	dma.local [hbm:s3], $0xF7A  }
0x26: {  	[smem:$0x3F9D] =	sst s1;
	(tag) =	ssettag s2;
	_ =	strace s9  }
0x27: {  	s1 =	sld [smem:$0x3FAD]  }
0x28: {  	s2 =	sld [smem:$0x3FAE]  }
0x29: {  	s4 =	sld [smem:$0x3FB0]  }
0x2a: {  	p0 =	seq.s32 s5, $0x0;
	s5 =	sld [smem:$0x3FB1]  }
0x2b: {  	s6 =	sld [smem:$0x3FB2]  }
0x2c: {  	s7 =	sld [smem:$0x3FB3]  }
0x2d: {  	s3 =	simm.s32 $0x108;
	s8 =	sld [smem:$0x3FB4]  }
0x2e: {  	s3 =	simm.s32 @!p0 $0x1082;
	s9 =	sld [smem:$0x3FB5]  }
0x2f: {  	lr =	sadd.s32 s0, s3;
	s0 =	sld [smem:$0x3FAC]  }
0x30: {  	s3 =	sld [smem:$0x3FAF]  }
0x31: {  	[smem:$0x3FB8] =	sst s10  }
0x32: {  	s10 =	sld [smem:$0x3FB6];
	_ =	sdelay $0x3  }
0x33: {  	p0 =	seq.s32 s10, $0x1;
	s10 =	sld [smem:$0x3FB8];
	_ =	sdelay $0x3  }
0x34: {  	[smem:$0x3FB8] =	sst s10  }
0x35: {  	s10 =	sld [smem:$0x3FB7];
	_ =	sdelay $0x3  }
0x36: {  	p1 =	seq.s32 s10, $0x1;
	s10 =	sld [smem:$0x3FB8];
	_ =	sdelay $0x3  }
0x37: {  	[smem:$0x3FB8] =	sst s10  }
0x38: {  	s10 =	sld [smem:$0x3FB9]  }
0x39: {  	_ = 	snop;
	(pc) =	sbr.ind lr, $3  }
0x3a: {  	_ = 	snop  }
0x3b: {  	_ = 	snop  }
0x3c: {  	p2 =	seq.s32 s10, $0x1;
	s10 =	sld [smem:$0x3FB8]  }
0x3d: {  	_ =	shalt  }
0x3e: {  	_ =	shalt  }
0x3f: {  	_ =	shalt  }
0x40: {  	_ =	shalt  }
0x41: {  	_ =	shalt  }
0x42: {  	_ =	shalt  }
0x43: {  	_ =	shalt  }
0x44: {  	_ =	shalt  }
0x45: {  	_ =	shalt  }
0x46: {  	_ =	shalt  }
0x47: {  	_ =	shalt  }
0x48: {  	_ =	shalt  }
0x49: {  	_ =	shalt  }
0x4a: {  	_ =	shalt  }
0x4b: {  	_ =	shalt  }
0x4c: {  	_ =	shalt  }
0x4d: {  	_ =	shalt  }
0x4e: {  	_ =	shalt  }
0x4f: {  	_ =	shalt  }
0x50: {  	_ =	shalt  }
0x51: {  	_ =	shalt  }
0x52: {  	_ =	shalt  }
0x53: {  	_ =	shalt  }
0x54: {  	_ =	shalt  }
0x55: {  	_ =	shalt  }
0x56: {  	_ =	shalt  }
0x57: {  	_ =	shalt  }
0x58: {  	_ =	shalt  }
0x59: {  	_ =	shalt  }
0x5a: {  	_ =	shalt  }
0x5b: {  	_ =	shalt  }
0x5c: {  	_ =	shalt  }
0x5d: {  	_ =	shalt  }
0x5e: {  	_ =	shalt  }
0x5f: {  	_ =	shalt  }
0x60: {  	_ =	shalt  }
0x61: {  	_ =	shalt  }
0x62: {  	_ =	shalt  }
0x63: {  	_ =	shalt  }
0x64: {  	_ =	shalt  }
0x65: {  	_ =	shalt  }
0x66: {  	_ =	shalt  }
0x67: {  	_ =	shalt  }
0x68: {  	_ =	shalt  }
0x69: {  	_ =	shalt  }
0x6a: {  	_ =	shalt  }
0x6b: {  	_ =	shalt  }
0x6c: {  	_ =	shalt  }
0x6d: {  	_ =	shalt  }
0x6e: {  	_ =	shalt  }
0x6f: {  	_ =	shalt  }
0x70: {  	_ =	shalt  }
0x71: {  	_ =	shalt  }
0x72: {  	_ =	shalt  }
0x73: {  	_ =	shalt  }
0x74: {  	_ =	shalt  }
0x75: {  	_ =	shalt  }
0x76: {  	_ =	shalt  }
0x77: {  	_ =	shalt  }
0x78: {  	_ =	shalt  }
0x79: {  	_ =	shalt  }
0x7a: {  	_ =	shalt  }
0x7b: {  	_ =	shalt  }
0x7c: {  	_ =	shalt  }
0x7d: {  	_ =	shalt  }
0x7e: {  	_ =	shalt  }
0x7f: {  	_ =	shalt  }
0x80: {  	_ =	shalt  }
0x81: {  	_ =	shalt  }
0x82: {  	_ =	shalt  }
0x83: {  	_ =	shalt  }
0x84: {  	_ =	shalt  }
0x85: {  	_ =	shalt  }
0x86: {  	_ =	shalt  }
0x87: {  	_ =	shalt  }
.Lfunc_end0:
.L_simem_size_0:
called_computation_lowered:
.L_overlay_start_0:
0x88: {  	s2 =	sld [smem:$0x3FD9]  }
0x89: {  	s3 =	sld [smem:$0x3FFE];
	_ =	sdelay $0x1  }
0x8a: {  	s1 =	srdreg.scid  }
0x8b: {  	s0 =	sand.u32 $0x1, s1  }
0x8c: {  	s17 =	sshll.u32 s0, $0xA;
	s2 =	sadd.s32 s3, s2  }
0x8d: {  	s2 =	sadd.s32 s2, s17  }
0x8e: {  	[smem:$0x3FC4] =	sst s2  }
0x8f: {  	_ = 	snop  }
0x90: {  	s2 =	sld [smem:$0x3FC9]  }
0x91: {  	s18 =	sld [smem:$0x3FD0];
	(tm) =	ssettm $0x1  }
0x92: {  	s4 =	sld [smem:$0x3FFB];
	_ =	sdelay $0x3  }
0x93: {  	_ =	strace s4  }
0x94: {  	s4 =	sld [smem:$0x3FFC];
	_ =	sdelay $0x3  }
0x95: {  	_ =	strace s4  }
0x96: {  	s4 =	sld [smem:$0x3FFD];
	_ =	sdelay $0x3  }
0x97: {  	_ =	strace s4  }
0x98: {  	_ =	strace $0x8FFFFFFF  }
0x99: {  	s19 =	sld [smem:$0x3FDB];
	_ =	sdelay $0x1  }
0x9a: {  	s5 =	simm.s32 $_scs_section_size  }
0x9b: {  	s6 =	simm.s32 $_size__tile_overlayer_lowered;
	s7 =	simm.s32 $_tile_overlayer_lowered  }
0x9c: {  	s22 =	simm.s32 $0x1BFF;
	s21 =	sshll.u32 s7, $0x1;
	s4 =	sadd.s32 s5, s19  }
0x9d: {  	s8 =	simm.s32 $0x0;
	s20 =	sshll.u32 s6, $0x1;
	s6 =	sadd.s32 s21, s4  }
0x9e: {  	[timem:s8], [sflag:s22] =	dma.local [hbm:s6], s20  }
0x9f: {  	_ =	swait.ge [sflag:s22], s20  }
0xa0: {  	s5 =	ssub.s32 $0x0, s20;
	[sflag:s22] =	ssyncset.done $0x0  }
0xa1: {  	[sflag:s22] =	ssyncadd.s32 s5;
	_ =	sdelay $0x1  }
0xa2: {  	s23 =	simm.s32 $0x1B8B  }
0xa3: {  	_ =	swait.ge [sflag:s23], $0x1  }
0xa4: {  	[sflag:s23] =	ssyncset.done $0x0  }
0xa5: {  	s25 =	simm.s32 $0x1B8E;
	s24 =	sld [smem:$0x3FFE];
	[sflag:s23] =	ssyncadd.s32 $0xFFFFFFFF  }
0xa6: {  	s26 =	simm.s32 $execute0_lowered;
	[smem:$0x3FD2] =	sst s25  }
0xa7: {  	s6 =	sshll.u32 s26, $0x1;
	_ =	strace $0x80000046;
	[dreg:$0x1] =	wrdreg $0xFFFFFFFF  }
0xa8: {  	s28 =	simm.s32 $_size_execute0_lowered;
	s4 =	sadd.s32 s4, s6;
	[dreg:$0x0] =	wrdreg $0x0  }
0xa9: {  	s6 =	sshll.u32 s28, $0x1;
	[dreg:$0x2] =	wrdreg s4  }
0xaa: {  	[dreg:$0x3] =	wrdreg s6  }
0xab: {  	[dreg:$0x4] =	wrdreg $0xC0  }
0xac: {  	_ =	task [dreg:s8], $0x5FFFF  }
0xad: {  	[dreg:$0x1] =	wrdreg $0xFFFFFFFF  }
0xae: {  	[dreg:$0x0] =	wrdreg $0x60  }
0xaf: {  	[dreg:$0x2] =	wrdreg s2  }
0xb0: {  	[dreg:$0x3] =	wrdreg s24  }
0xb1: {  	[dreg:$0x4] =	wrdreg s18  }
0xb2: {  	[dreg:$0x5] =	wrdreg $0x10CC00  }
0xb3: {  	[dreg:$0x6] =	wrdreg $0x70800  }
0xb4: {  	[dreg:$0x7] =	wrdreg $0x9  }
0xb5: {  	_ =	task.clear_ibuf [dreg:s8], $0x8FFFF;
	_ =	strace $0x90000046  }
0xb6: {  	s29 =	simm.s32 $0x9;
	_ =	strace $0x80000048  }
0xb7: {  	_ =	swait.ge [sflag:s29], $0x1  }
0xb8: {  	[sflag:s29] =	ssyncadd.s32 $0xFFFFFFFF  }
0xb9: {  	_ =	strace $0x90000048  }
0xba: {  	_ =	sfence  }
0xbb: {  	s30 =	sld [smem:$0x0];
	_ =	sdelay $0x2  }
0xbc: {  	s31 =	sshll.u32 s1, $0xD;
	s1 =	sshrl.u32 s1, $0x2  }
0xbd: {  	s3 =	sand.u32 $0x4000, s31;
	s1 =	sadd.s32 s1, s30  }
0xbe: {  	s0 =	sor.u32 s3, s0;
	s1 =	sshll.u32 s1, $0x11  }
0xbf: {  	s0 =	sor.u32 s1, s0  }
0xc0: {  	s0 =	sadd.s32 $0x8F2B, s0  }
0xc1: {  	[sflag:s0] =	ssyncadd.remote.s32 $0x1  }
0xc2: {  	_ =	sfence.sel $0xFFFF  }
0xc3: {  	[dreg:$0x0] =	wrdreg $0xFFFFFFFF;
	(pc) =	sbr.abs _section_cstart, $3  }
0xc4: {  	[dreg:$0x1] =	wrdreg $0xFFFFFFFF  }
0xc5: {  	_ =	task.clear_ibuf [dreg:s8], $0x2FFFF;
	_ =	strace $0x9FFFFFFF  }
0xc6: {  	(tm) =	ssettm $0x7FFFFFFF  }
0xc7: {  	_ =	shalt  }
tec
execute0_lowered:
.L_overlay_start_1:
0x0: {  	(tag) =	ssettag $0x1  }
0x1: {  	s0 =	rddreg [dreg:$0x0]  }
0x2: {  	s2 =	rddreg [dreg:$0x1]  }
0x3: {  	s5 =	rddreg [dreg:$0x2];
	s16 =	stileid.u32  }
0x4: {  	s1 =	rddreg [dreg:$0x3];
	s7 =	smul.u32 $0x4E20, s16  }
0x5: {  	s3 =	rddreg [dreg:$0x4];
	s4 =	simm.s32 $0x0;
	s9 =	smul.u32 $0x27800, s16  }
0x6: {  	s6 =	srdreg.scid;
	s28 =	simm.s32 $0x7;
	s11 =	smul.u32 $0x9E00, s16  }
0x7: {  	s29 =	simm.s32 $0x0;
	[smem:$0x7FF] =	sst s4;
	s20 =	smul.u32 $0x13C0, s16  }
0x8: {  	s6 =	sand.u32 $0x1, s6;
	s2 =	sadd.s32 $0x800, s2;
	s22 =	smul.u32 $0x2780, s16  }
0x9: {  	s14 =	sadd.s32 $0x94200, s1;
	s26 =	sadd.s32 $0x96600, s1;
	s30 =	sadd.s32 $0x98A00, s1  }
0xa: {  	s31 =	sadd.s32 $0x9AE00, s1;
	_ =	strace $0x80000047;
	[dreg:$0xe] =	wrdreg s26  }
0xb: {  	s19 =	sadd.s32 $0x94200, s3;
	p0 =	seq.s32 s16, $0xF;
	[dreg:$0xf] =	wrdreg s30  }
0xc: {  	[dreg:$0x10] =	wrdreg s31;
	s9 =	sshrl.u32 s9, $0x2;
	s12 =	sadd.s32 s11, s1  }
0xd: {  	s8 =	ssub.s32 $0x2, s6;
	[dreg:$0x6] =	wrdreg s12;
	s21 =	sadd.s32 s9, s1  }
0xe: {  	p4 =	seq.s32 s6, $0x1;
	s9 =	sadd.s32 s0, s22;
	[dreg:$0x7] =	wrdreg s21  }
0xf: {  	s25 =	smul.u32 $0x13880, s6;
	s13 =	sadd.s32 $0x2400, s21;
	[dreg:$0xc] =	wrdreg s9  }
0x10: {  	s6 =	smul.u32 $0x9C400, s6;
	s23 =	sadd.s32 $0x4800, s21;
	[dreg:$0x8] =	wrdreg s13  }
0x11: {  	s10 =	sshrl.u32 s8, $0x1;
	s24 =	sadd.s32 $0x6C00, s21;
	[dreg:$0x9] =	wrdreg s23  }
0x12: {  	p1 =	por !p4, !p0;
	s12 =	sadd.s32 $0x9000, s21;
	[dreg:$0xa] =	wrdreg s24  }
0x13: {  	s8 =	ssub.s32 s8, s10;
	s9 =	sadd.s32 $0x8, s9;
	[dreg:$0xb] =	wrdreg s12  }
0x14: {  	s6 =	sshrl.u32 s6, $0x3;
	s17 =	smax.u32 s8, $0x1;
	[dreg:$0xd] =	wrdreg s9  }
0x15: {  	s12 =	sadd.s32 s11, s3;
	s13 =	sadd.s32 $0x25080, s0;
	[dreg:$0x16] =	wrdreg s17  }
0x16: {  	s9 =	sadd.s32 s20, s25;
	s0 =	sadd.s32 $0x25088, s0;
	[dreg:$0x13] =	wrdreg s13  }
0x17: {  	s11 =	sshrl.u32 s7, $0x3;
	s9 =	sadd.s32 s5, s9;
	[dreg:$0x14] =	wrdreg s0  }
0x18: {  	s5 =	sadd.s32 s5, s6;
	s6 =	sadd.s32 s2, s11;
	[dreg:$0x11] =	wrdreg s9  }
0x19: {  	p2 =	por p4, !p0;
	s15 =	sadd.s32 $0x12840, s5;
	[dreg:$0x12] =	wrdreg s6  }
0x1a: {  	p3 =	por !p4, p0;
	s18 =	sadd.s32 $0x9C40, s6;
	[dreg:$0x15] =	wrdreg s15  }
0x1b: {  	p4 =	por p4, p0;
	s20 =	sadd.s32 $0x12, s6;
	[dreg:$0x17] =	wrdreg s18  }
0x1c: {  	s10 =	smul.u32 $0x9C4, s16;
	s21 =	sadd.s32 $0x9C52, s6;
	[dreg:$0x18] =	wrdreg s20  }
0x1d: {  	s17 =	simm.s32 $0x1B0;
	s22 =	sadd.s32 $0x24, s6;
	[dreg:$0x19] =	wrdreg s21  }
0x1e: {  	s2 =	sadd.s32 s10, s2;
	s23 =	sadd.s32 $0x9C64, s6;
	[dreg:$0x1a] =	wrdreg s22  }
0x1f: {  	s10 =	simm.s32 $0x5;
	s24 =	sadd.s32 $0x36, s6;
	[dreg:$0x1b] =	wrdreg s23  }
0x20: {  	s13 =	simm.s32 $0x1;
	s26 =	sadd.s32 $0x9C76, s6;
	[dreg:$0x1c] =	wrdreg s24  }
0x21: {  	s11 =	simm.s32 $0x120;
	s30 =	sadd.s32 $0x9B4, s6;
	[dreg:$0x1d] =	wrdreg s26  }
0x22: {  	s25 =	sadd.s32 $0x9C88, s2;
	s31 =	sadd.s32 $0xA5F4, s6;
	[dreg:$0x1e] =	wrdreg s30  }
0x23: {  	s9 =	simm.s32 $0x90;
	[dreg:$0x1f] =	wrdreg s31;
	s15 =	simm.s32 $0x480  }
0x24: {  	s18 =	simm.s32 $0x2;
	s20 =	simm.s32 $0x2880;
	s22 =	simm.s32 $0x3  }
0x25: {  	v0 =	vimm.f32 $0.0e+00;
	v1 =	vimm.s32 $0x0;
	v2 =	vimm.s32 $0x2710;
	s23 =	simm.s32 $0x4C80;
	s24 =	simm.s32 $0x4;
	s26 =	simm.s32 $0x6  }
.LBB2_1:
0x26: {  	s0 =	sand.u32 $0xFF00, s4  }
0x27: {  	s2 =	sand.u32 $0x30, s4;
	s5 =	sshrl.u32 s0, $0x2  }
0x28: {  	s0 =	simm.s32 $0x40;
	s5 =	sor.u32 s2, s5;
	s2 =	simm.s32 $0x0  }
.LBB2_2:
0x29: {  	p5 =	sne.s32 s0, $0x8FC0  }
0x2a: {  	[tilespmem:s5+$0x480] =	vst v0;
	s2 =	sadd.s32 $0x10, s2;
	s5 =	smov.u32 s0;
	s0 =	sadd.s32 $0x40, s0  }
.Ltmp0:
0x2b: {  	(pc) =	sbr.rel @p5 .LBB2_2-.Ltmp0, $4  }
0x2c: {  	_ = 	snop  }
0x2d: {  	s5 =	sand.u32 $0xFF00, s5  }
0x2e: {  	s6 =	sand.u32 $0x30, s2;
	s5 =	sshrl.u32 s5, $0x2  }
0x2f: {  	s5 =	sor.u32 s6, s5  }
0x30: {  	[tilespmem:s5+$0x480] =	vst v0;
	s0 =	simm.s32 @p0 $0x480  }
0x31: {  	[spmem:s14] =	stream.linear.scatter @p0 [tilespmem:s0], [sflag:$0x5], $0x2400, $0x38;
	[tilespmem:$0x1A920] =	vst v63  }
0x32: {  	s2 =	rddreg [dreg:$0xe]  }
0x33: {  	[spmem:s2] =	stream.linear.scatter @p0 [tilespmem:s0], [sflag:$0x5], $0x2400, $0x38;
	[tilespmem:$0x1A920] =	vst v63  }
0x34: {  	s5 =	simm.s32 @!p1 $0x8;
	s2 =	rddreg [dreg:$0xf]  }
0x35: {  	[spmem:s2] =	stream.linear.scatter @p0 [tilespmem:s0], [sflag:$0x5], $0x2400, $0x38;
	[tilespmem:$0x1A920] =	vst v63  }
0x36: {  	s6 =	simm.s32 @!p1 $0x10;
	s7 =	simm.s32 @!p1 $0x1FC5;
	s2 =	rddreg [dreg:$0x10]  }
0x37: {  	[spmem:s2] =	stream.linear.scatter @p0 [tilespmem:s0], [sflag:$0x5], $0x1600, $0x38;
	[tilespmem:$0x1A920] =	vst v63  }
0x38: {  	s8 =	rddreg [dreg:$0x14];
	s0 =	sshrl.u32 @!p1 s19, $0x3;
	s2 =	simm.s32 @!p1 $0x1  }
0x39: {  	[spmem:s0@s5], [sflag:s7] =	dma.strided @!p1 [hbm:s8@s6], $0x1040, s2, $0x8   }
0x3a: {  	s0 =	sshrl.u32 @!p2 s19, $0x3;
	s2 =	simm.s32 @!p2 $0x1;
	s5 =	simm.s32 @!p2 $0x8  }
0x3b: {  	s6 =	simm.s32 @!p2 $0x10;
	s7 =	simm.s32 @!p2 $0x1FC5;
	s8 =	rddreg [dreg:$0x13]  }
0x3c: {  	[spmem:s0@s5], [sflag:s7] =	dma.strided @!p2 [hbm:s8@s6], $0x1040, s2, $0x8   }
0x3d: {  	s0 =	simm.s32 @!p0 $0x480;
	s2 =	rddreg [dreg:$0x6]  }
0x3e: {  	[spmem:s2] =	stream.linear.scatter @!p0 [tilespmem:s0], [sflag:$0x5], $0x2400, $0x38;
	[tilespmem:$0x1A920] =	vst v63  }
0x3f: {  	s2 =	rddreg [dreg:$0x8]  }
0x40: {  	[spmem:s2] =	stream.linear.scatter @!p0 [tilespmem:s0], [sflag:$0x5], $0x2400, $0x38;
	[tilespmem:$0x1A920] =	vst v63  }
0x41: {  	s2 =	rddreg [dreg:$0x9]  }
0x42: {  	[spmem:s2] =	stream.linear.scatter @!p0 [tilespmem:s0], [sflag:$0x5], $0x2400, $0x38;
	[tilespmem:$0x1A920] =	vst v63  }
0x43: {  	s2 =	rddreg [dreg:$0xa]  }
0x44: {  	[spmem:s2] =	stream.linear.scatter @!p0 [tilespmem:s0], [sflag:$0x5], $0x2400, $0x38;
	[tilespmem:$0x1A920] =	vst v63  }
0x45: {  	s5 =	simm.s32 @!p3 $0x1;
	s2 =	rddreg [dreg:$0xb]  }
0x46: {  	[spmem:s2] =	stream.linear.scatter @!p0 [tilespmem:s0], [sflag:$0x5], $0xE00, $0x38;
	[tilespmem:$0x1A920] =	vst v63  }
0x47: {  	s6 =	simm.s32 @!p3 $0x8;
	s7 =	simm.s32 @!p3 $0x10;
	s0 =	sshll.u32 @!p3 s16, $0x6  }
0x48: {  	s8 =	rddreg [dreg:$0xd];
	s2 =	sshrl.u32 @!p3 s12, $0x3;
	s0 =	sor.u32 @!p3 $0x1C05, s0  }
0x49: {  	[spmem:s2@s6], [sflag:s0] =	dma.strided @!p3 [hbm:s8@s7], $0x13C0, s5, $0x8   }
0x4a: {  	s0 =	sshll.u32 @!p4 s16, $0x6  }
0x4b: {  	s2 =	sshrl.u32 @!p4 s12, $0x3;
	s5 =	simm.s32 @!p4 $0x1;
	s6 =	simm.s32 @!p4 $0x8  }
0x4c: {  	s7 =	simm.s32 @!p4 $0x10;
	s0 =	sor.u32 @!p4 $0x1C05, s0;
	s8 =	rddreg [dreg:$0xc]  }
0x4d: {  	[spmem:s2@s6], [sflag:s0] =	dma.strided @!p4 [hbm:s8@s7], $0x13C0, s5, $0x8   }
0x4e: {  	s0 =	rddreg [dreg:$0x12]  }
0x4f: {  	[tilespmem:s4], [sflag:$0x1] =	stream.linear.gather [hbm4b:s0+s4], $0x90, $0x38;
	[tilespmem:$0x1A920] =	vst v63  }
0x50: {  	s5 =	rddreg [dreg:$0x17]  }
0x51: {  	[tilespmem:s9], [sflag:$0x1] =	stream.linear.gather [hbm4b:s5+s4], $0x90, $0x38;
	[tilespmem:$0x1A920] =	vst v63  }
0x52: {  	_ =	swait.ge [sflag:s10], $0x2400  }
0x53: {  	[sflag:s10] =	ssyncset.done $0x0  }
0x54: {  	[sflag:s10] =	ssyncadd.s32 $0xFFFFDC00  }
0x55: {  	_ =	swait.ge [sflag:s10], $0x2400  }
0x56: {  	[sflag:s10] =	ssyncset.done $0x0  }
0x57: {  	[sflag:s10] =	ssyncadd.s32 $0xFFFFDC00  }
0x58: {  	_ =	swait.ge [sflag:s10], $0x2400  }
0x59: {  	[sflag:s10] =	ssyncset.done $0x0  }
0x5a: {  	s0 =	simm.s32 @p0 $0x5;
	[sflag:s10] =	ssyncadd.s32 $0xFFFFDC00  }
0x5b: {  	_ =	swait.ge @p0 [sflag:s0], $0x1600  }
0x5c: {  	[sflag:s0] =	ssyncset.done @p0 $0x0  }
0x5d: {  	[sflag:s0] =	ssyncadd.s32 @p0 $0xFFFFEA00  }
0x5e: {  	_ =	swait.ge @p0 [sflag:s0], $0x1040  }
0x5f: {  	[sflag:s0] =	ssyncset.done @p0 $0x0  }
0x60: {  	[sflag:s0] =	ssyncadd.s32 @p0 $0xFFFFEFC0;
	s0 =	simm.s32 @!p0 $0x5  }
0x61: {  	_ =	swait.ge @!p0 [sflag:s0], $0x2400  }
0x62: {  	[sflag:s0] =	ssyncset.done @!p0 $0x0  }
0x63: {  	[sflag:s0] =	ssyncadd.s32 @!p0 $0xFFFFDC00  }
0x64: {  	_ =	swait.ge @!p0 [sflag:s0], $0xE00  }
0x65: {  	[sflag:s0] =	ssyncset.done @!p0 $0x0  }
0x66: {  	[sflag:s0] =	ssyncadd.s32 @!p0 $0xFFFFF200  }
0x67: {  	_ =	swait.ge @!p0 [sflag:s0], $0x13C0  }
0x68: {  	[sflag:s0] =	ssyncset.done @!p0 $0x0  }
0x69: {  	[sflag:s0] =	ssyncadd.s32 @!p0 $0xFFFFEC40  }
0x6a: {  	[bflag:$0x0] =	sbarrier.arrive $0xFFFF  }
0x6b: {  	_ =	swait.ge [sflag:s13], $0x90  }
0x6c: {  	[sflag:s13] =	ssyncset.done $0x0  }
0x6d: {  	[sflag:s13] =	ssyncadd.s32 $0xFFFFFF70  }
0x6e: {  	_ =	swait.ge [sflag:s13], $0x90  }
0x6f: {  	[sflag:s13] =	ssyncset.done $0x0  }
0x70: {  	[sflag:s13] =	ssyncadd.s32 $0xFFFFFF70  }
0x71: {  	[tilespmem:s15], [sflag:$0x3] =	stream.indirect.gather [spmem:s3], $0x40, s4, s9, $0xb8;
	[tilespmem:$0x1A920] =	vst v63  }
0x72: {  	s6 =	rddreg [dreg:$0x18]  }
0x73: {  	[tilespmem:s11], [sflag:$0x2] =	stream.linear.gather [hbm4b:s6+s4], $0x90, $0x38;
	[tilespmem:$0x1A920] =	vst v63  }
0x74: {  	s7 =	rddreg [dreg:$0x19]  }
0x75: {  	[tilespmem:s17], [sflag:$0x2] =	stream.linear.gather [hbm4b:s7+s4], $0x90, $0x38;
	[tilespmem:$0x1A920] =	vst v63  }
0x76: {  	_ =	swait.ge [sflag:s18], $0x90  }
0x77: {  	[sflag:s18] =	ssyncset.done $0x0  }
0x78: {  	[sflag:s18] =	ssyncadd.s32 $0xFFFFFF70  }
0x79: {  	_ =	swait.ge [sflag:s18], $0x90  }
0x7a: {  	[sflag:s18] =	ssyncset.done $0x0  }
0x7b: {  	[sflag:s18] =	ssyncadd.s32 $0xFFFFFF70  }
0x7c: {  	[tilespmem:s20], [sflag:$0x4] =	stream.indirect.gather [spmem:s3], $0x40, s11, s9, $0xb8;
	[tilespmem:$0x1A920] =	vst v63  }
0x7d: {  	s8 =	rddreg [dreg:$0x1a];
	s11 =	simm.s32 $0x240  }
0x7e: {  	[tilespmem:s11], [sflag:$0x1] =	stream.linear.gather [hbm4b:s8+s4], $0x90, $0x38;
	[tilespmem:$0x1A920] =	vst v63  }
0x7f: {  	s21 =	simm.s32 $0x2D0;
	s16 =	rddreg [dreg:$0x1b]  }
0x80: {  	[tilespmem:s21], [sflag:$0x1] =	stream.linear.gather [hbm4b:s16+s4], $0x90, $0x38;
	[tilespmem:$0x1A920] =	vst v63  }
0x81: {  	_ =	swait.ge [sflag:s22], $0x2400  }
0x82: {  	[sflag:s22] =	ssyncset.done $0x0  }
0x83: {  	[sflag:s22] =	ssyncadd.s32 $0xFFFFDC00  }
0x84: {  	[spmem:s1] =	stream.indirect.scatter.add.f32 [tilespmem:s15], [sflag:$0x5], $0x40, s9, s9, $0xb8;
	[tilespmem:$0x1A920] =	vst v63  }
0x85: {  	_ =	swait.ge [sflag:s13], $0x90  }
0x86: {  	[sflag:s13] =	ssyncset.done $0x0  }
0x87: {  	[sflag:s13] =	ssyncadd.s32 $0xFFFFFF70  }
0x88: {  	_ =	swait.ge [sflag:s13], $0x90  }
0x89: {  	[sflag:s13] =	ssyncset.done $0x0  }
0x8a: {  	[sflag:s13] =	ssyncadd.s32 $0xFFFFFF70  }
0x8b: {  	[tilespmem:s23], [sflag:$0x3] =	stream.indirect.gather [spmem:s3], $0x40, s11, s9, $0xb8;
	[tilespmem:$0x1A920] =	vst v63  }
0x8c: {  	s6 =	simm.s32 $0x360;
	s5 =	rddreg [dreg:$0x1c]  }
0x8d: {  	[tilespmem:s6], [sflag:$0x2] =	stream.linear.gather [hbm4b:s5+s4], $0x90, $0x38;
	[tilespmem:$0x1A920] =	vst v63  }
0x8e: {  	s8 =	simm.s32 $0x3F0;
	s6 =	simm.s32 $0x5  }
0x8f: {  	s21 =	simm.s32 $0x4;
	s7 =	rddreg [dreg:$0x1d];
	s11 =	smul.u32 $0xAB, s6  }
0x90: {  	[tilespmem:s8], [sflag:$0x2] =	stream.linear.gather [hbm4b:s7+s4], $0x90, $0x38;
	[tilespmem:$0x1A920] =	vst v63  }
0x91: {  	s8 =	sand.u32 $0xFF, s21  }
0x92: {  	_ =	swait.ge [sflag:s24], $0x2400;
	s16 =	sadd.s32 $0xFFFFFDFF, s11;
	s0 =	sadd.s32 $0xFFFFFEAA, s11  }
0x93: {  	s8 =	smul.u32 $0xAB, s8;
	[sflag:s24] =	ssyncset.done $0x0;
	s2 =	sshrl.u32 s16, $0x9  }
0x94: {  	s0 =	sshrl.u32 s0, $0x9;
	s16 =	sand.u32 $0x2, s21;
	[sflag:s24] =	ssyncadd.s32 $0xFFFFDC00  }
0x95: {  	[spmem:s1] =	stream.indirect.scatter.add.f32 [tilespmem:s20], [sflag:$0x6], $0x40, s17, s9, $0xb8;
	[tilespmem:$0x1A920] =	vst v63  }
0x96: {  	s0 =	sand.u32 $0x7F, s0;
	s11 =	smul.u32 $0x480, s16;
	_ =	swait.ge [sflag:s10], $0x2400  }
0x97: {  	s2 =	sand.u32 $0x7F, s2;
	s0 =	smul.u32 $0x3, s0;
	[sflag:s10] =	ssyncset.done $0x0  }
0x98: {  	s17 =	simm.s32 $0x3;
	s2 =	smul.u32 $0x3, s2;
	[sflag:s10] =	ssyncadd.s32 $0xFFFFDC00  }
0x99: {  	s20 =	simm.s32 $0x2;
	s0 =	ssub.s32 $0x3, s0;
	_ =	swait.ge [sflag:s18], $0x90  }
0x9a: {  	s5 =	sand.u32 $0x3, s17;
	s0 =	sand.u32 $0xFF, s0;
	[sflag:s18] =	ssyncset.done $0x0  }
0x9b: {  	s7 =	sand.u32 $0x2, s20;
	s0 =	smul.u32 $0x9000, s0;
	[sflag:s18] =	ssyncadd.s32 $0xFFFFFF70  }
0x9c: {  	s21 =	sshrl.u32 s11, $0x2;
	s5 =	smul.u32 $0x480, s5;
	_ =	swait.ge [sflag:s18], $0x90  }
0x9d: {  	s2 =	ssub.s32 $0x2, s2;
	s0 =	sshrl.u32 s0, $0x2;
	[sflag:s18] =	ssyncset.done $0x0  }
0x9e: {  	s5 =	sshrl.u32 s5, $0x2;
	s0 =	sadd.s32 $0x480, s0;
	[sflag:s18] =	ssyncadd.s32 $0xFFFFFF70  }
0x9f: {  	[tilespmem:s0], [sflag:$0x4] =	stream.indirect.gather [spmem:s3], $0x40, s5, s9, $0xb8;
	[tilespmem:$0x1A920] =	vst v63  }
0xa0: {  	s17 =	sadd.s32 $0xFFFF63C0, s25;
	s7 =	smul.u32 $0x480, s7;
	s2 =	sand.u32 $0xFF, s2  }
0xa1: {  	[tilespmem:s21], [sflag:$0x1] =	stream.linear.gather [hbm4b:s17+s4], $0x90, $0x38;
	[tilespmem:$0x1A920] =	vst v63  }
0xa2: {  	s20 =	sadd.s32 $0x90, s21;
	s2 =	smul.u32 $0x9000, s2  }
0xa3: {  	[tilespmem:s20], [sflag:$0x1] =	stream.linear.gather [hbm4b:s25+s4], $0x90, $0x38;
	[tilespmem:$0x1A920] =	vst v63  }
0xa4: {  	s8 =	sshrl.u32 s8, $0x9;
	_ =	swait.ge [sflag:s22], $0x2400  }
0xa5: {  	s7 =	sshrl.u32 s7, $0x2;
	s2 =	sshrl.u32 s2, $0x2;
	[sflag:s22] =	ssyncset.done $0x0  }
0xa6: {  	s7 =	sadd.s32 $0x90, s7;
	s2 =	sadd.s32 $0x480, s2;
	[sflag:s22] =	ssyncadd.s32 $0xFFFFDC00  }
0xa7: {  	[spmem:s1] =	stream.indirect.scatter.add.f32 [tilespmem:s2], [sflag:$0x5], $0x40, s7, s9, $0xb8;
	[tilespmem:$0x1A920] =	vst v63  }
0xa8: {  	s8 =	smul.u32 $0x3, s8;
	_ =	swait.ge [sflag:s26], $0x2400  }
0xa9: {  	s30 =	simm.s32 $0x7;
	[sflag:s26] =	ssyncset.done $0x0  }
0xaa: {  	s31 =	sadd.s32 $0x24, s25;
	s16 =	ssub.s32 $0x4, s8;
	[sflag:s26] =	ssyncadd.s32 $0xFFFFDC00  }
0xab: {  	s8 =	simm.s32 $0x9;
	s20 =	sand.u32 $0x3, s6;
	_ =	swait.ge [sflag:s13], $0x90  }
0xac: {  	s6 =	smul.u32 $0x480, s20;
	s2 =	sand.u32 $0xFF, s16;
	[sflag:s13] =	ssyncset.done $0x0  }
0xad: {  	s20 =	sadd.s32 $0x12, s25;
	s2 =	smul.u32 $0x9000, s2;
	[sflag:s13] =	ssyncadd.s32 $0xFFFFFF70  }
0xae: {  	s11 =	sshrl.u32 s6, $0x2;
	s16 =	sadd.s32 $0xFFFF63D2, s25;
	_ =	swait.ge [sflag:s13], $0x90  }
0xaf: {  	s17 =	sshrl.u32 s2, $0x2;
	s2 =	smul.u32 $0xAB, s30;
	[sflag:s13] =	ssyncset.done $0x0  }
0xb0: {  	s7 =	sadd.s32 $0x480, s17;
	s17 =	sadd.s32 $0x90, s11;
	[sflag:s13] =	ssyncadd.s32 $0xFFFFFF70  }
.LBB2_4:
0xb1: {  	[tilespmem:s7], [sflag:$0x3] =	stream.indirect.gather [spmem:s3], $0x40, s21, s9, $0xb8;
	[tilespmem:$0x1A920] =	vst v63  }
0xb2: {  	s7 =	smov.u32 s30;
	s30 =	smov.u32 s8  }
0xb3: {  	s6 =	sadd.s32 $0xFFFFFEAA, s2;
	s2 =	sadd.s32 $0xFFFFFDFF, s2;
	s21 =	sadd.s32 $0xFFFFFFFE, s7  }
0xb4: {  	[tilespmem:s11], [sflag:$0x2] =	stream.linear.gather [hbm4b:s16+s4], $0x90, $0x38;
	[tilespmem:$0x1A920] =	vst v63  }
0xb5: {  	s6 =	sshrl.u32 s6, $0x9;
	s2 =	sshrl.u32 s2, $0x9;
	s11 =	sand.u32 $0x3, s21  }
0xb6: {  	s5 =	sadd.s32 $0x90, s5;
	s16 =	sand.u32 $0x7F, s6;
	s2 =	sand.u32 $0x7F, s2  }
0xb7: {  	[tilespmem:s17], [sflag:$0x2] =	stream.linear.gather [hbm4b:s20+s4], $0x90, $0x38;
	[tilespmem:$0x1A920] =	vst v63  }
0xb8: {  	s6 =	sadd.s32 $0x2, s8;
	s2 =	smul.u32 $0x3, s2;
	_ =	swait.ge [sflag:s24], $0x2400  }
0xb9: {  	s16 =	smul.u32 $0x3, s16;
	s17 =	sadd.s32 $0xFFFFFFFD, s7;
	[sflag:s24] =	ssyncset.done $0x0  }
0xba: {  	s11 =	smul.u32 $0x480, s11;
	s2 =	ssub.s32 s17, s2;
	[sflag:s24] =	ssyncadd.s32 $0xFFFFDC00  }
0xbb: {  	[spmem:s1] =	stream.indirect.scatter.add.f32 [tilespmem:s0], [sflag:$0x6], $0x40, s5, s9, $0xb8;
	[tilespmem:$0x1A920] =	vst v63  }
0xbc: {  	s2 =	sand.u32 $0xFF, s2;
	s0 =	ssub.s32 s21, s16;
	_ =	swait.ge [sflag:s10], $0x2400  }
0xbd: {  	s2 =	smul.u32 $0x9000, s2;
	s0 =	sand.u32 $0xFF, s0;
	[sflag:s10] =	ssyncset.done $0x0  }
0xbe: {  	s5 =	sand.u32 $0x2, s17;
	s0 =	smul.u32 $0x9000, s0;
	[sflag:s10] =	ssyncadd.s32 $0xFFFFDC00  }
0xbf: {  	s2 =	sshrl.u32 s2, $0x2;
	s5 =	smul.u32 $0x480, s5;
	_ =	swait.ge [sflag:s18], $0x90  }
0xc0: {  	p5 =	sne.s32 s8, $0x89;
	s0 =	sshrl.u32 s0, $0x2;
	[sflag:s18] =	ssyncset.done $0x0  }
0xc1: {  	s8 =	sshrl.u32 s5, $0x2;
	[sflag:s18] =	ssyncadd.s32 $0xFFFFFF70  }
0xc2: {  	s5 =	sshrl.u32 s11, $0x2;
	s11 =	sadd.s32 $0xFFFFFFFF, s7;
	_ =	swait.ge [sflag:s18], $0x90  }
0xc3: {  	s16 =	sand.u32 $0x2, s11;
	s17 =	sand.u32 $0xFF, s11;
	[sflag:s18] =	ssyncset.done $0x0  }
0xc4: {  	s0 =	sadd.s32 $0x480, s0;
	s16 =	smul.u32 $0x480, s16;
	[sflag:s18] =	ssyncadd.s32 $0xFFFFFF70  }
0xc5: {  	[tilespmem:s0], [sflag:$0x4] =	stream.indirect.gather [spmem:s3], $0x40, s5, s9, $0xb8;
	[tilespmem:$0x1A920] =	vst v63  }
0xc6: {  	s17 =	smul.u32 $0xAB, s17;
	s21 =	sshrl.u32 s16, $0x2;
	s16 =	sadd.s32 $0xFFFF63C0, s31  }
0xc7: {  	[tilespmem:s21], [sflag:$0x1] =	stream.linear.gather [hbm4b:s16+s4], $0x90, $0x38;
	[tilespmem:$0x1A920] =	vst v63  }
0xc8: {  	s17 =	sshrl.u32 s17, $0x9;
	s16 =	sadd.s32 $0x90, s21  }
0xc9: {  	[tilespmem:s16], [sflag:$0x1] =	stream.linear.gather [hbm4b:s31+s4], $0x90, $0x38;
	[tilespmem:$0x1A920] =	vst v63  }
0xca: {  	s2 =	sadd.s32 $0x480, s2;
	s16 =	smul.u32 $0x3, s17;
	_ =	swait.ge [sflag:s22], $0x2400  }
0xcb: {  	[sflag:s22] =	ssyncset.done $0x0  }
0xcc: {  	s8 =	sadd.s32 $0x90, s8;
	s11 =	ssub.s32 s11, s16;
	[sflag:s22] =	ssyncadd.s32 $0xFFFFDC00  }
0xcd: {  	[spmem:s1] =	stream.indirect.scatter.add.f32 [tilespmem:s2], [sflag:$0x5], $0x40, s8, s9, $0xb8;
	[tilespmem:$0x1A920] =	vst v63  }
0xce: {  	s2 =	sand.u32 $0xFF, s11;
	_ =	swait.ge [sflag:s26], $0x2400  }
0xcf: {  	s2 =	smul.u32 $0x9000, s2;
	[sflag:s26] =	ssyncset.done $0x0  }
0xd0: {  	[sflag:s26] =	ssyncadd.s32 $0xFFFFDC00  }
0xd1: {  	s20 =	sadd.s32 $0x12, s31;
	s8 =	sshrl.u32 s2, $0x2;
	_ =	swait.ge [sflag:s13], $0x90  }
.Ltmp1:
0xd2: {  	s2 =	sand.u32 $0x3, s7;
	[sflag:s13] =	ssyncset.done $0x0;
	(pc) =	sbr.rel @p5 .LBB2_4-.Ltmp1, $4  }
0xd3: {  	s16 =	sadd.s32 $0xFFFF63D2, s31;
	s7 =	smul.u32 $0x480, s2;
	[sflag:s13] =	ssyncadd.s32 $0xFFFFFF70  }
0xd4: {  	s31 =	sadd.s32 $0x24, s31;
	s2 =	smul.u32 $0xAB, s30;
	_ =	swait.ge [sflag:s13], $0x90  }
0xd5: {  	s11 =	sshrl.u32 s7, $0x2;
	s7 =	sadd.s32 $0x480, s8;
	[sflag:s13] =	ssyncset.done $0x0  }
0xd6: {  	s8 =	smov.u32 s6;
	s17 =	sadd.s32 $0x90, s11;
	[sflag:s13] =	ssyncadd.s32 $0xFFFFFF70  }
0xd7: {  	[tilespmem:s7], [sflag:$0x3] =	stream.indirect.gather [spmem:s3], $0x40, s21, s9, $0xb8;
	[tilespmem:$0x1A920] =	vst v63  }
0xd8: {  	_ = 	snop  }
0xd9: {  	[tilespmem:s11], [sflag:$0x2] =	stream.linear.gather [hbm4b:s16+s4], $0x90, $0x38;
	[tilespmem:$0x1A920] =	vst v63  }
0xda: {  	s6 =	sadd.s32 $0xFFFFFFFE, s30  }
0xdb: {  	[tilespmem:s17], [sflag:$0x2] =	stream.linear.gather [hbm4b:s20+s4], $0x90, $0x38;
	[tilespmem:$0x1A920] =	vst v63  }
0xdc: {  	s5 =	sadd.s32 $0x90, s5;
	s21 =	sadd.s32 $0xFFFFFFFD, s30;
	_ =	swait.ge [sflag:s24], $0x2400  }
0xdd: {  	s8 =	sand.u32 $0x3, s6;
	s11 =	sadd.s32 $0xFFFFFEAA, s2;
	[sflag:s24] =	ssyncset.done $0x0  }
0xde: {  	s16 =	sadd.s32 $0xFFFFFDFF, s2;
	s7 =	sshrl.u32 s11, $0x9;
	[sflag:s24] =	ssyncadd.s32 $0xFFFFDC00  }
0xdf: {  	[spmem:s1] =	stream.indirect.scatter.add.f32 [tilespmem:s0], [sflag:$0x6], $0x40, s5, s9, $0xb8;
	[tilespmem:$0x1A920] =	vst v63  }
0xe0: {  	s11 =	smul.u32 $0x480, s8;
	s7 =	sand.u32 $0x7F, s7;
	_ =	swait.ge [sflag:s10], $0x2400  }
0xe1: {  	s2 =	sshrl.u32 s16, $0x9;
	s20 =	smul.u32 $0x3, s7;
	[sflag:s10] =	ssyncset.done $0x0  }
0xe2: {  	s17 =	sand.u32 $0x7F, s2;
	s7 =	sshrl.u32 s11, $0x2;
	[sflag:s10] =	ssyncadd.s32 $0xFFFFDC00  }
0xe3: {  	s2 =	ssub.s32 s6, s20;
	s6 =	sadd.s32 $0xFFFFFFFF, s30;
	_ =	swait.ge [sflag:s18], $0x90  }
0xe4: {  	s0 =	smul.u32 $0x3, s17;
	s2 =	sand.u32 $0xFF, s2;
	[sflag:s18] =	ssyncset.done $0x0  }
0xe5: {  	s16 =	sand.u32 $0x2, s6;
	s2 =	smul.u32 $0x9000, s2;
	[sflag:s18] =	ssyncadd.s32 $0xFFFFFF70  }
0xe6: {  	s5 =	sand.u32 $0x2, s21;
	s17 =	sadd.s32 $0xFFFF63C0, s31;
	_ =	swait.ge [sflag:s18], $0x90  }
0xe7: {  	s8 =	smul.u32 $0x480, s16;
	s2 =	sshrl.u32 s2, $0x2;
	[sflag:s18] =	ssyncset.done $0x0  }
0xe8: {  	s0 =	ssub.s32 s21, s0;
	s2 =	sadd.s32 $0x480, s2;
	[sflag:s18] =	ssyncadd.s32 $0xFFFFFF70  }
0xe9: {  	[tilespmem:s2], [sflag:$0x4] =	stream.indirect.gather [spmem:s3], $0x40, s7, s9, $0xb8;
	[tilespmem:$0x1A920] =	vst v63  }
0xea: {  	s5 =	smul.u32 $0x480, s5;
	s0 =	sand.u32 $0xFF, s0;
	s8 =	sshrl.u32 s8, $0x2  }
0xeb: {  	[tilespmem:s8], [sflag:$0x1] =	stream.linear.gather [hbm4b:s17+s4], $0x90, $0x38;
	[tilespmem:$0x1A920] =	vst v63  }
0xec: {  	s0 =	smul.u32 $0x9000, s0;
	s20 =	sadd.s32 $0x90, s8  }
0xed: {  	[tilespmem:s20], [sflag:$0x1] =	stream.linear.gather [hbm4b:s31+s4], $0x90, $0x38;
	[tilespmem:$0x1A920] =	vst v63  }
0xee: {  	s21 =	sand.u32 $0xFF, s6;
	s5 =	sshrl.u32 s5, $0x2;
	_ =	swait.ge [sflag:s22], $0x2400  }
0xef: {  	s11 =	smul.u32 $0xAB, s21;
	s0 =	sshrl.u32 s0, $0x2;
	[sflag:s22] =	ssyncset.done $0x0  }
0xf0: {  	s5 =	sadd.s32 $0x90, s5;
	s0 =	sadd.s32 $0x480, s0;
	[sflag:s22] =	ssyncadd.s32 $0xFFFFDC00  }
0xf1: {  	[spmem:s1] =	stream.indirect.scatter.add.f32 [tilespmem:s0], [sflag:$0x5], $0x40, s5, s9, $0xb8;
	[tilespmem:$0x1A920] =	vst v63  }
0xf2: {  	s5 =	sshrl.u32 s11, $0x9;
	_ =	swait.ge [sflag:s26], $0x2400  }
0xf3: {  	s0 =	smul.u32 $0x3, s5;
	[sflag:s26] =	ssyncset.done $0x0  }
0xf4: {  	[sflag:s26] =	ssyncadd.s32 $0xFFFFDC00  }
0xf5: {  	s0 =	ssub.s32 s6, s0;
	_ =	swait.ge [sflag:s13], $0x90  }
0xf6: {  	s0 =	sand.u32 $0xFF, s0;
	[sflag:s13] =	ssyncset.done $0x0  }
0xf7: {  	s0 =	smul.u32 $0x9000, s0;
	[sflag:s13] =	ssyncadd.s32 $0xFFFFFF70  }
0xf8: {  	_ =	swait.ge [sflag:s13], $0x90  }
0xf9: {  	s11 =	sand.u32 $0x3, s30;
	s0 =	sshrl.u32 s0, $0x2;
	[sflag:s13] =	ssyncset.done $0x0  }
0xfa: {  	s5 =	smul.u32 $0x480, s11;
	s0 =	sadd.s32 $0x480, s0;
	[sflag:s13] =	ssyncadd.s32 $0xFFFFFF70  }
0xfb: {  	[tilespmem:s0], [sflag:$0x3] =	stream.indirect.gather [spmem:s3], $0x40, s8, s9, $0xb8;
	[tilespmem:$0x1A920] =	vst v63  }
0xfc: {  	s16 =	sadd.s32 $0xFFFF63D2, s31;
	s5 =	sshrl.u32 s5, $0x2  }
0xfd: {  	[tilespmem:s5], [sflag:$0x2] =	stream.linear.gather [hbm4b:s16+s4], $0x90, $0x38;
	[tilespmem:$0x1A920] =	vst v63  }
0xfe: {  	s17 =	sadd.s32 $0x12, s31;
	s5 =	sadd.s32 $0x90, s5  }
0xff: {  	[tilespmem:s5], [sflag:$0x2] =	stream.linear.gather [hbm4b:s17+s4], $0x90, $0x38;
	[tilespmem:$0x1A920] =	vst v63  }
0x100: {  	_ =	swait.ge [sflag:s24], $0x2400  }
0x101: {  	[sflag:s24] =	ssyncset.done $0x0  }
0x102: {  	s20 =	sadd.s32 $0x90, s7;
	[sflag:s24] =	ssyncadd.s32 $0xFFFFDC00  }
0x103: {  	[spmem:s1] =	stream.indirect.scatter.add.f32 [tilespmem:s2], [sflag:$0x6], $0x40, s20, s9, $0xb8;
	[tilespmem:$0x1A920] =	vst v63  }
0x104: {  	_ =	swait.ge [sflag:s10], $0x2400  }
0x105: {  	[sflag:s10] =	ssyncset.done $0x0  }
0x106: {  	[sflag:s10] =	ssyncadd.s32 $0xFFFFDC00  }
0x107: {  	_ =	swait.ge [sflag:s18], $0x90  }
0x108: {  	[sflag:s18] =	ssyncset.done $0x0  }
0x109: {  	[sflag:s18] =	ssyncadd.s32 $0xFFFFFF70  }
0x10a: {  	_ =	swait.ge [sflag:s18], $0x90  }
0x10b: {  	[sflag:s18] =	ssyncset.done $0x0  }
0x10c: {  	s11 =	simm.s32 $0x120;
	[sflag:s18] =	ssyncadd.s32 $0xFFFFFF70  }
0x10d: {  	[tilespmem:s23], [sflag:$0x4] =	stream.indirect.gather [spmem:s3], $0x40, s11, s9, $0xb8;
	[tilespmem:$0x1A920] =	vst v63  }
0x10e: {  	_ =	swait.ge [sflag:s22], $0x2400  }
0x10f: {  	[sflag:s22] =	ssyncset.done $0x0  }
0x110: {  	s20 =	simm.s32 $0x2880;
	[sflag:s22] =	ssyncadd.s32 $0xFFFFDC00  }
0x111: {  	[spmem:s1] =	stream.indirect.scatter.add.f32 [tilespmem:s20], [sflag:$0x5], $0x40, s9, s9, $0xb8;
	[tilespmem:$0x1A920] =	vst v63  }
0x112: {  	_ =	swait.ge [sflag:s26], $0x2400  }
0x113: {  	[sflag:s26] =	ssyncset.done $0x0  }
0x114: {  	[sflag:s26] =	ssyncadd.s32 $0xFFFFDC00  }
0x115: {  	_ =	swait.ge [sflag:s24], $0x2400  }
0x116: {  	[sflag:s24] =	ssyncset.done $0x0  }
0x117: {  	s17 =	simm.s32 $0x1B0;
	[sflag:s24] =	ssyncadd.s32 $0xFFFFDC00  }
0x118: {  	[spmem:s1] =	stream.indirect.scatter.add.f32 [tilespmem:s23], [sflag:$0x6], $0x40, s17, s9, $0xb8;
	[tilespmem:$0x1A920] =	vst v63  }
0x119: {  	_ =	swait.ge [sflag:s10], $0x2400  }
0x11a: {  	[sflag:s10] =	ssyncset.done $0x0  }
0x11b: {  	[sflag:s10] =	ssyncadd.s32 $0xFFFFDC00  }
0x11c: {  	_ =	swait.ge [sflag:s26], $0x2400  }
0x11d: {  	[sflag:s26] =	ssyncset.done $0x0  }
0x11e: {  	s21 =	rddreg [dreg:$0x1e];
	[sflag:s26] =	ssyncadd.s32 $0xFFFFDC00  }
0x11f: {  	[tilespmem:s4], [sflag:$0x7] =	stream.linear.gather [hbm4b:s21+s4], $0x80, $0x38;
	[tilespmem:$0x1A920] =	vst v63  }
0x120: {  	_ =	swait.ge [sflag:s28], $0x80  }
0x121: {  	[sflag:s28] =	ssyncset.done $0x0  }
0x122: {  	s30 =	rddreg [dreg:$0x1f];
	[sflag:s28] =	ssyncadd.s32 $0xFFFFFF80  }
0x123: {  	[tilespmem:s9], [sflag:$0x7] =	stream.linear.gather [hbm4b:s30+s4], $0x80, $0x38;
	[tilespmem:$0x1A920] =	vst v63  }
0x124: {  	_ =	swait.ge [sflag:s28], $0x80  }
0x125: {  	[sflag:s28] =	ssyncset.done $0x0  }
0x126: {  	[sflag:s28] =	ssyncadd.s32 $0xFFFFFF80  }
0x127: {  	[tilespmem:$0x80] =	vst v1  }
0x128: {  	[tilespmem:$0x110] =	vst v2  }
0x129: {  	[tilespmem:s15], [sflag:$0x3] =	stream.indirect.gather [spmem:s3], $0x40, s4, s9, $0xb8;
	[tilespmem:$0x1A920] =	vst v63  }
0x12a: {  	_ =	swait.ge [sflag:s22], $0x2400  }
0x12b: {  	[sflag:s22] =	ssyncset.done $0x0  }
0x12c: {  	[sflag:s22] =	ssyncadd.s32 $0xFFFFDC00  }
0x12d: {  	[spmem:s1] =	stream.indirect.scatter.add.f32 [tilespmem:s15], [sflag:$0x7], $0x40, s9, s9, $0xb8;
	[tilespmem:$0x1A920] =	vst v63  }
0x12e: {  	_ =	swait.ge [sflag:s28], $0x2400  }
0x12f: {  	[sflag:s28] =	ssyncset.done $0x0  }
0x130: {  	[sflag:s28] =	ssyncadd.s32 $0xFFFFDC00  }
0x131: {  	[bflag:$0x0] =	sbarrier.arrive $0xFFFF  }
0x132: {  	s0 =	sshrl.u32 @p0 s14, $0x3;
	s2 =	simm.s32 @p0 $0x1FC7;
	s5 =	rddreg [dreg:$0x15]  }
0x133: {  	[hbm:s5], [sflag:s2] =	dma.local @p0 [spmem:s0], $0x1040  }
0x134: {  	s0 =	simm.s32 @p0 $0x7  }
0x135: {  	s16 =	stileid.u32;
	_ =	swait.ge @p0 [sflag:s0], $0x1040  }
0x136: {  	s2 =	sshll.u32 @!p0 s16, $0x6;
	[sflag:s0] =	ssyncset.done @p0 $0x0  }
0x137: {  	[sflag:s0] =	ssyncadd.s32 @p0 $0xFFFFEFC0;
	s0 =	sor.u32 @!p0 $0x1C07, s2;
	s2 =	rddreg [dreg:$0x7]  }
0x138: {  	s5 =	rddreg [dreg:$0x11];
	s2 =	sshrl.u32 @!p0 s2, $0x3  }
0x139: {  	[hbm:s5], [sflag:s0] =	dma.local @!p0 [spmem:s2], $0x13C0  }
0x13a: {  	s0 =	simm.s32 @!p0 $0x7  }
0x13b: {  	_ =	swait.ge @!p0 [sflag:s0], $0x13C0  }
0x13c: {  	s29 =	sadd.s32 $0x1, s29;
	s31 =	rddreg [dreg:$0x16]  }
0x13d: {  	p5 =	sne.s32 s29, s31  }
.Ltmp2:
0x13e: {  	_ = 	snop;
	(pc) =	sbr.rel @p5 .LBB2_1-.Ltmp2, $3  }
0x13f: {  	_ =	sdelay $0x1  }
0x140: {  	[sflag:s0] =	ssyncset.done @!p0 $0x0  }
0x141: {  	[sflag:s0] =	ssyncadd.s32 @!p0 $0xFFFFEC40  }
0x142: {  	_ =	sfence.sel $0x180000  }
0x143: {  	[bflag:$0x0] =	sbarrier.arrive $0xFFFF  }
0x144: {  	_ =	strace $0x90000047  }
0x145: {  	[bflag:$0x2] =	sbarrier.arrive $0xFFFF  }
0x146: {  	p0 =	sne.s32 s16, $0x0;
	s0 =	rddreg [dreg:$0x5]  }
0x147: {  	s0 =	sadd.s32 @!p0 $0x100000, s0  }
0x148: {  	[sflag:s0] =	ssyncadd.tile.s32 @!p0 $0x1;
	_ =	shalt  }
.Lfunc_end2:
_tile_overlayer_lowered:
.L_overlay_start_2:
0x149: {  	(tag) =	ssettag $0x2  }
0x14a: {  	s0 =	rddreg [dreg:$0x0];
	s2 =	stileid.u32  }
0x14b: {  	s1 =	rddreg [dreg:$0x1];
	p0 =	sne.s32 s2, $0x0  }
0x14c: {  	s3 =	rddreg [dreg:$0x2];
	[bflag:$0x3] =	sbarrier.arrive $0xFFFF;
	s2 =	simm.s32 @!p0 $0x1C07  }
0x14d: {  	[timem:s3], [sflag:s2] =	dma.local @!p0 [hbm:s0], s1  }
0x14e: {  	s0 =	simm.s32 @!p0 $0x7  }
0x14f: {  	_ =	swait.ge @!p0 [sflag:s0], s1  }
0x150: {  	s1 =	ssub.s32 @!p0 $0x0, s1;
	[sflag:s0] =	ssyncset.done @!p0 $0x0  }
0x151: {  	[sflag:s0] =	ssyncadd.s32 @!p0 s1  }
0x152: {  	[bflag:$0x3] =	sbarrier.arrive $0xFFFF  }
0x153: {  	_ =	shalt  }

</sc_bundles>
